<compile_context>
chip_gen: v7x
topology: tpu7x:2x2x1
jax: 0.10.2.dev20260603
libtpu: 0.0.44.dev20260713+nightly
codegen_flags: <defaults>
</compile_context>

<pallas_src>
import functools

import jax
import jax.numpy as jnp
from jax import lax
from jax.experimental import pallas as pl
from jax.experimental.pallas import tpu as pltpu
from jax.experimental.pallas import tpu_sc as plsc

N = 10000
D = 256
DH = 128
E = 160000
ALPHA = 0.5

NC = 2
NS = 16
K = 64
NCH = 79
EPT = K * NCH
E_PAD = NC * NS * EPT

N_PAD = 10240
RPT = N_PAD // NS


NB = 400


def _sc_aggregate(xb, srcs4, dsts4):
    mesh = plsc.VectorSubcoreMesh(
        core_axis_name="c", subcore_axis_name="s", num_cores=NC, num_subcores=NS)

    @functools.partial(
        pl.kernel,
        out_type=(
            jax.ShapeDtypeStruct((NC, N_PAD, D), jnp.bfloat16),
            jax.ShapeDtypeStruct((NC, NS, N_PAD), jnp.float32),
        ),
        mesh=mesh,
        compiler_params=pltpu.CompilerParams(
            needs_layout_passes=False, use_tc_tiling_on_sc=False),
        scratch_types=[
            pltpu.VMEM((NCH, K), jnp.int32),
            pltpu.VMEM((NCH, K), jnp.int32),
            [pltpu.VMEM((K,), jnp.int32) for _ in range(2)],
            [pltpu.VMEM((K,), jnp.int32) for _ in range(2)],
            [pltpu.VMEM((K, D), jnp.bfloat16) for _ in range(2)],
            pltpu.VMEM((N_PAD,), jnp.float32),
            pltpu.VMEM_SHARED((N_PAD, D), jnp.bfloat16),
            [pltpu.SemaphoreType.DMA for _ in range(4)],
        ],
    )
    def k(xb_hbm, srcs_hbm, dsts_hbm, sum_hbm, cnt_hbm,
          src_all, dst_all, src_v, dst_v, rows, cnt_v, acc, sems):
        c = lax.axis_index("c")
        s = lax.axis_index("s")
        zero16 = jnp.zeros((16,), jnp.float32)
        ones16 = jnp.ones((16,), jnp.float32)

        pltpu.sync_copy(srcs_hbm.at[c, s], src_all)
        pltpu.sync_copy(dsts_hbm.at[c, s], dst_all)

        zero32b = jnp.zeros((32,), jnp.bfloat16)

        def zrow(i, _):
            for j in range(D // 32):
                rows[0][i, pl.ds(j * 32, 32)] = zero32b
            return 0
        lax.fori_loop(0, K, zrow, 0)

        def zcnt(i, _):
            cnt_v[pl.ds(i * 16, 16)] = zero16
            return 0
        lax.fori_loop(0, N_PAD // 16, zcnt, 0)

        def zacc(i, _):
            pltpu.sync_copy(rows[0], acc.at[pl.ds(s * RPT + i * K, K)])
            return 0
        lax.fori_loop(0, RPT // K, zacc, 0)

        plsc.subcore_barrier()

        def body(i, _):
            for b in range(2):
                ch = 2 * i + b
                for j in range(K // 16):
                    s16 = src_all[ch, pl.ds(j * 16, 16)]
                    src_v[b][pl.ds(j * 16, 16)] = s16
                    d16 = dst_all[ch, pl.ds(j * 16, 16)]
                    dst_v[b][pl.ds(j * 16, 16)] = d16

                    plsc.addupdate_scatter(cnt_v, [d16], ones16)
            g0 = pltpu.async_copy(xb_hbm.at[src_v[0]], rows[0], sems[0])
            g1 = pltpu.async_copy(xb_hbm.at[src_v[1]], rows[1], sems[1])
            g0.wait()
            s0 = pltpu.async_copy(rows[0], acc.at[dst_v[0]], sems[2],
                                  add=True)
            g1.wait()
            s1 = pltpu.async_copy(rows[1], acc.at[dst_v[1]], sems[3],
                                  add=True)
            s0.wait()
            s1.wait()
            return 0
        lax.fori_loop(0, NCH // 2, body, 0)

        if NCH % 2:
            ch = NCH - 1
            for j in range(K // 16):
                s16 = src_all[ch, pl.ds(j * 16, 16)]
                src_v[0][pl.ds(j * 16, 16)] = s16
                d16 = dst_all[ch, pl.ds(j * 16, 16)]
                dst_v[0][pl.ds(j * 16, 16)] = d16
                plsc.addupdate_scatter(cnt_v, [d16], ones16)
            pltpu.async_copy(xb_hbm.at[src_v[0]], rows[0], sems[0]).wait()
            pltpu.async_copy(rows[0], acc.at[dst_v[0]], sems[2],
                             add=True).wait()

        plsc.subcore_barrier()

        pltpu.sync_copy(acc.at[pl.ds(s * RPT, RPT)],
                        sum_hbm.at[c, pl.ds(s * RPT, RPT)])

        pltpu.sync_copy(cnt_v, cnt_hbm.at[c, s])

    return k(xb, srcs4, dsts4)


def _tc_body(x_ref, s0_ref, s1_ref, cnt_ref, wi_ref, wo_ref, wr_ref,
             bi_ref, bo_ref, br_ref, o_ref):
    inv = 1.0 / jnp.maximum(cnt_ref[...], 1.0)
    m = (s0_ref[0].astype(jnp.float32) +
         s1_ref[0].astype(jnp.float32)) * inv
    wc = ALPHA * wo_ref[...] + (1.0 - ALPHA) * wi_ref[...]
    bias = ALPHA * bo_ref[...] + (1.0 - ALPHA) * bi_ref[...] + br_ref[...]
    dot = functools.partial(jnp.dot, preferred_element_type=jnp.float32)
    o_ref[...] = dot(m, wc) + dot(x_ref[...], wr_ref[...]) + bias


def _tc_combine(x, sum3, cnt_col, W_in, W_out, W_root,
                b_in, b_out, b_root):
    grid = (N // NB,)
    full = lambda i: (0, 0)
    return pl.pallas_call(
        _tc_body,
        grid=grid,
        in_specs=[
            pl.BlockSpec((NB, D), lambda i: (i, 0)),
            pl.BlockSpec((1, NB, D), lambda i: (0, i, 0)),
            pl.BlockSpec((1, NB, D), lambda i: (1, i, 0)),
            pl.BlockSpec((NB, 1), lambda i: (i, 0)),
            pl.BlockSpec((D, D), full),
            pl.BlockSpec((D, D), full),
            pl.BlockSpec((D, D), full),
            pl.BlockSpec((1, D), full),
            pl.BlockSpec((1, D), full),
            pl.BlockSpec((1, D), full),
        ],
        out_specs=pl.BlockSpec((NB, D), lambda i: (i, 0)),
        out_shape=jax.ShapeDtypeStruct((N, D), jnp.float32),
    )(x, sum3, sum3, cnt_col, W_in, W_out, W_root,
      b_in.reshape(1, D), b_out.reshape(1, D), b_root.reshape(1, D))


def kernel(x, edge_index, W_in, b_in, W_out, b_out, W_root, b_root):
    src = edge_index[0]
    dst = edge_index[1]
    pad = E_PAD - E
    src_p = jnp.concatenate([src, jnp.zeros((pad,), jnp.int32)])
    dst_p = jnp.concatenate([dst, jnp.full((pad,), N, jnp.int32)])
    srcs4 = src_p.reshape(NC, NS, NCH, K)
    dsts4 = dst_p.reshape(NC, NS, NCH, K)
    xb = x.astype(jnp.bfloat16)
    sum3, cnt_parts = _sc_aggregate(xb, srcs4, dsts4)
    cnt_col = jnp.sum(cnt_parts, axis=(0, 1))[:N].reshape(N, 1)
    return _tc_combine(x, sum3, cnt_col, W_in, W_out, W_root,
                       b_in, b_out, b_root)

# --- scband reference (transcript-rebuilt; emitter-appended) ---
"""Pipeline reference for scband-dir-gnnconv-73796128080403 (READ-ONLY COPY).

The authoritative reference and input builder live on the scoring server;
editing this copy changes nothing except your own understanding.
"""

import jax, jax.numpy as jnp
import numpy as np

N = 10000
E = 160000
D = 256
ALPHA = 0.5


def setup_inputs(seed: int = 0) -> dict:
    key = jax.random.key(seed)
    ks = jax.random.split(key, 9)
    x = jax.random.normal(ks[0], (N, D), dtype=jnp.float32)
    edge_index = jax.random.randint(ks[1], (2, E), 0, N, dtype=jnp.int32)
    scale = 1.0 / np.sqrt(D)
    W_in = jax.random.normal(ks[2], (D, D), dtype=jnp.float32) * scale
    b_in = jax.random.normal(ks[3], (D,), dtype=jnp.float32) * scale
    W_out = jax.random.normal(ks[4], (D, D), dtype=jnp.float32) * scale
    b_out = jax.random.normal(ks[5], (D,), dtype=jnp.float32) * scale
    W_root = jax.random.normal(ks[6], (D, D), dtype=jnp.float32) * scale
    b_root = jax.random.normal(ks[7], (D,), dtype=jnp.float32) * scale
    return {"x": x, "edge_index": edge_index, "W_in": W_in, "b_in": b_in,
            "W_out": W_out, "b_out": b_out, "W_root": W_root, "b_root": b_root}


def _sage_conv(x, edge_index, W, b):
    # SAGEConv with root_weight disabled by the DirGNNConv wrapper:
    # mean-aggregate source features into target nodes, then linear.
    src = edge_index[0]
    dst = edge_index[1]
    msg = jnp.take(x, src, axis=0)                               # gather [E, D]
    summed = jax.ops.segment_sum(msg, dst, num_segments=N)       # scatter-add [N, D]
    cnt = jax.ops.segment_sum(jnp.ones((E,), jnp.float32), dst, num_segments=N)
    mean = summed / jnp.clip(cnt, 1.0, None)[:, None]
    return mean @ W + b


def reference(x, edge_index, W_in, b_in, W_out, b_out, W_root, b_root):
    # Faithful to the provided torch code: for a dense edge_index both
    # conv_in and conv_out receive the SAME edge_index (the flip only
    # happens in the SparseTensor branch), but with separate weights.
    x_in = _sage_conv(x, edge_index, W_in, b_in)
    x_out = _sage_conv(x, edge_index, W_out, b_out)
    out = ALPHA * x_out + (1.0 - ALPHA) * x_in
    out = out + x @ W_root + b_root  # root_weight=True path
    return out

if __name__ == "__main__":
    import jax
    _d = setup_inputs()
    print(jax.jit(kernel)(*tuple(_d.values())))

</pallas_src>

<mosaic_0001>
#map = affine_map<(d0, d1) -> (0, 0)>
#map1 = affine_map<(d0, d1) -> (0, 0, 0, 0)>
#map2 = affine_map<(d0, d1) -> (0, 0, 0)>
module attributes {stable_mosaic.version = 14 : i64} {
  func.func @k(%arg0: i32, %arg1: i32, %arg2: memref<10000x256xbf16, #tpu.memory_space<hbm>>, %arg3: memref<2x16x79x64xi32, #tpu.memory_space<hbm>>, %arg4: memref<2x16x79x64xi32, #tpu.memory_space<hbm>>, %arg5: memref<2x10240x256xbf16, #tpu.memory_space<hbm>>, %arg6: memref<2x16x10240xf32, #tpu.memory_space<hbm>>, %arg7: memref<79x64xi32, #tpu.memory_space<vmem>>, %arg8: memref<79x64xi32, #tpu.memory_space<vmem>>, %arg9: memref<64xi32, #tpu.memory_space<vmem>>, %arg10: memref<64xi32, #tpu.memory_space<vmem>>, %arg11: memref<64xi32, #tpu.memory_space<vmem>>, %arg12: memref<64xi32, #tpu.memory_space<vmem>>, %arg13: memref<64x256xbf16, #tpu.memory_space<vmem>>, %arg14: memref<64x256xbf16, #tpu.memory_space<vmem>>, %arg15: memref<10240xf32, #tpu.memory_space<vmem>>, %arg16: memref<10240x256xbf16, #tpu.memory_space<vmem_shared>>, %arg17: memref<!tpu.dma_semaphore, #tpu.memory_space<semaphore_mem>>, %arg18: memref<!tpu.dma_semaphore, #tpu.memory_space<semaphore_mem>>, %arg19: memref<!tpu.dma_semaphore, #tpu.memory_space<semaphore_mem>>, %arg20: memref<!tpu.dma_semaphore, #tpu.memory_space<semaphore_mem>>) attributes {dimension_semantics = [#tpu.dimension_semantics<core_parallel>, #tpu.dimension_semantics<subcore_parallel>], iteration_bounds = array<i64: 2, 16>, scalar_prefetch = 0 : i64, scratch_operands = 14 : i64, tpu.core_type = #tpu.core_type<sc_vector_subcore>, window_params = [{transform_indices = #map}, {transform_indices = #map1}, {transform_indices = #map1}, {transform_indices = #map2}, {transform_indices = #map2}]} {
    %broadcast_in_dim3A = arith.constant 0.000000e+00 : f32
    %broadcast_in_dim3A_0 = vector.broadcast %broadcast_in_dim3A : f32 to vector<16xf32>
    %broadcast_in_dim3A_1 = arith.constant 1.000000e+00 : f32
    %broadcast_in_dim3A_2 = vector.broadcast %broadcast_in_dim3A_1 : f32 to vector<16xf32>
    "tpu.region"() ({
      %run_scoped3A = tpu.sem_alloc : memref<!tpu.dma_semaphore, #tpu.memory_space<semaphore_mem>>
      %dma_start3A_92 = arith.constant 0 : i32
      %dma_start3A_93 = arith.constant 0 : i32
      %dma_start3A_94 = tpu.memref_slice %arg3[%arg0, %arg1, %dma_start3A_92, %dma_start3A_93] : memref<2x16x79x64xi32, #tpu.memory_space<hbm>> -> memref<1x1x79x64xi32, #tpu.memory_space<hbm>>
      %dma_start3A_95 = tpu.memref_squeeze %dma_start3A_94 : memref<1x1x79x64xi32, #tpu.memory_space<hbm>> -> memref<79x64xi32, #tpu.memory_space<hbm>>
      %dma_start3A_96 = arith.constant 0 : i32
      %dma_start3A_97 = arith.constant 0 : i32
      %dma_start3A_98 = tpu.memref_slice %arg3[%arg0, %arg1, %dma_start3A_96, %dma_start3A_97] : memref<2x16x79x64xi32, #tpu.memory_space<hbm>> -> memref<1x1x79x64xi32, #tpu.memory_space<hbm>>
      %dma_start3A_99 = tpu.memref_squeeze %dma_start3A_98 : memref<1x1x79x64xi32, #tpu.memory_space<hbm>> -> memref<79x64xi32, #tpu.memory_space<hbm>>
      tpu.enqueue_dma source(%dma_start3A_99 : memref<79x64xi32, #tpu.memory_space<hbm>>) target(%arg7 : memref<79x64xi32, #tpu.memory_space<vmem>>) target_semaphore(%run_scoped3A : memref<!tpu.dma_semaphore, #tpu.memory_space<semaphore_mem>>)
      %dma_wait3A_100 = arith.constant 0 : i32
      %dma_wait3A_101 = arith.constant 0 : i32
      %dma_wait3A_102 = tpu.memref_slice %arg3[%arg0, %arg1, %dma_wait3A_100, %dma_wait3A_101] : memref<2x16x79x64xi32, #tpu.memory_space<hbm>> -> memref<1x1x79x64xi32, #tpu.memory_space<hbm>>
      %dma_wait3A_103 = tpu.memref_squeeze %dma_wait3A_102 : memref<1x1x79x64xi32, #tpu.memory_space<hbm>> -> memref<79x64xi32, #tpu.memory_space<hbm>>
      %dma_wait3A_104 = arith.constant 0 : i32
      %dma_wait3A_105 = arith.constant 0 : i32
      %dma_wait3A_106 = tpu.memref_slice %arg3[%arg0, %arg1, %dma_wait3A_104, %dma_wait3A_105] : memref<2x16x79x64xi32, #tpu.memory_space<hbm>> -> memref<1x1x79x64xi32, #tpu.memory_space<hbm>>
      %dma_wait3A_107 = tpu.memref_squeeze %dma_wait3A_106 : memref<1x1x79x64xi32, #tpu.memory_space<hbm>> -> memref<79x64xi32, #tpu.memory_space<hbm>>
      tpu.wait_dma2 semaphore(%run_scoped3A : memref<!tpu.dma_semaphore, #tpu.memory_space<semaphore_mem>>) src(%dma_wait3A_107 : memref<79x64xi32, #tpu.memory_space<hbm>>) dst(%arg7 : memref<79x64xi32, #tpu.memory_space<vmem>>)
      tpu.yield
    }) : () -> ()
    "tpu.region"() ({
      %run_scoped3A = tpu.sem_alloc : memref<!tpu.dma_semaphore, #tpu.memory_space<semaphore_mem>>
      %dma_start3A_92 = arith.constant 0 : i32
      %dma_start3A_93 = arith.constant 0 : i32
      %dma_start3A_94 = tpu.memref_slice %arg4[%arg0, %arg1, %dma_start3A_92, %dma_start3A_93] : memref<2x16x79x64xi32, #tpu.memory_space<hbm>> -> memref<1x1x79x64xi32, #tpu.memory_space<hbm>>
      %dma_start3A_95 = tpu.memref_squeeze %dma_start3A_94 : memref<1x1x79x64xi32, #tpu.memory_space<hbm>> -> memref<79x64xi32, #tpu.memory_space<hbm>>
      %dma_start3A_96 = arith.constant 0 : i32
      %dma_start3A_97 = arith.constant 0 : i32
      %dma_start3A_98 = tpu.memref_slice %arg4[%arg0, %arg1, %dma_start3A_96, %dma_start3A_97] : memref<2x16x79x64xi32, #tpu.memory_space<hbm>> -> memref<1x1x79x64xi32, #tpu.memory_space<hbm>>
      %dma_start3A_99 = tpu.memref_squeeze %dma_start3A_98 : memref<1x1x79x64xi32, #tpu.memory_space<hbm>> -> memref<79x64xi32, #tpu.memory_space<hbm>>
      tpu.enqueue_dma source(%dma_start3A_99 : memref<79x64xi32, #tpu.memory_space<hbm>>) target(%arg8 : memref<79x64xi32, #tpu.memory_space<vmem>>) target_semaphore(%run_scoped3A : memref<!tpu.dma_semaphore, #tpu.memory_space<semaphore_mem>>)
      %dma_wait3A_100 = arith.constant 0 : i32
      %dma_wait3A_101 = arith.constant 0 : i32
      %dma_wait3A_102 = tpu.memref_slice %arg4[%arg0, %arg1, %dma_wait3A_100, %dma_wait3A_101] : memref<2x16x79x64xi32, #tpu.memory_space<hbm>> -> memref<1x1x79x64xi32, #tpu.memory_space<hbm>>
      %dma_wait3A_103 = tpu.memref_squeeze %dma_wait3A_102 : memref<1x1x79x64xi32, #tpu.memory_space<hbm>> -> memref<79x64xi32, #tpu.memory_space<hbm>>
      %dma_wait3A_104 = arith.constant 0 : i32
      %dma_wait3A_105 = arith.constant 0 : i32
      %dma_wait3A_106 = tpu.memref_slice %arg4[%arg0, %arg1, %dma_wait3A_104, %dma_wait3A_105] : memref<2x16x79x64xi32, #tpu.memory_space<hbm>> -> memref<1x1x79x64xi32, #tpu.memory_space<hbm>>
      %dma_wait3A_107 = tpu.memref_squeeze %dma_wait3A_106 : memref<1x1x79x64xi32, #tpu.memory_space<hbm>> -> memref<79x64xi32, #tpu.memory_space<hbm>>
      tpu.wait_dma2 semaphore(%run_scoped3A : memref<!tpu.dma_semaphore, #tpu.memory_space<semaphore_mem>>) src(%dma_wait3A_107 : memref<79x64xi32, #tpu.memory_space<hbm>>) dst(%arg8 : memref<79x64xi32, #tpu.memory_space<vmem>>)
      tpu.yield
    }) : () -> ()
    %broadcast_in_dim3A_3 = arith.constant 0.000000e+00 : bf16
    %broadcast_in_dim3A_4 = vector.broadcast %broadcast_in_dim3A_3 : bf16 to vector<32xbf16>
    %scan3A = arith.constant 0 : i32
    %scan3A_5 = arith.constant 0 : i32
    %scan3A_6 = arith.constant 64 : i32
    %scan3A_7 = arith.addi %scan3A_5, %scan3A_6 : i32
    %scan3A_8 = arith.constant 1 : i32
    %scan3A_9 = scf.for %scan3A_92 = %scan3A_5 to %scan3A_7 step %scan3A_8 iter_args(%scan3A_93 = %scan3A) -> (i32)  : i32 {
      %swap3A_94 = arith.index_cast %scan3A_92 : i32 to index
      %swap3A_95 = arith.constant 0 : index
      %swap3A_96 = tpu.vector_load %arg13[%swap3A_94, %swap3A_95] {strides = array<i32>} : memref<64x256xbf16, #tpu.memory_space<vmem>>, vector<32xbf16>,
      tpu.vector_store %arg13[%swap3A_94, %swap3A_95], %broadcast_in_dim3A_4 {strides = array<i32>} : memref<64x256xbf16, #tpu.memory_space<vmem>>, vector<32xbf16>,
      %swap3A_97 = arith.index_cast %scan3A_92 : i32 to index
      %swap3A_98 = arith.constant 32 : index
      %swap3A_99 = tpu.vector_load %arg13[%swap3A_97, %swap3A_98] {strides = array<i32>} : memref<64x256xbf16, #tpu.memory_space<vmem>>, vector<32xbf16>,
      tpu.vector_store %arg13[%swap3A_97, %swap3A_98], %broadcast_in_dim3A_4 {strides = array<i32>} : memref<64x256xbf16, #tpu.memory_space<vmem>>, vector<32xbf16>,
      %swap3A_100 = arith.index_cast %scan3A_92 : i32 to index
      %swap3A_101 = arith.constant 64 : index
      %swap3A_102 = tpu.vector_load %arg13[%swap3A_100, %swap3A_101] {strides = array<i32>} : memref<64x256xbf16, #tpu.memory_space<vmem>>, vector<32xbf16>,
      tpu.vector_store %arg13[%swap3A_100, %swap3A_101], %broadcast_in_dim3A_4 {strides = array<i32>} : memref<64x256xbf16, #tpu.memory_space<vmem>>, vector<32xbf16>,
      %swap3A_103 = arith.index_cast %scan3A_92 : i32 to index
      %swap3A_104 = arith.constant 96 : index
      %swap3A_105 = tpu.vector_load %arg13[%swap3A_103, %swap3A_104] {strides = array<i32>} : memref<64x256xbf16, #tpu.memory_space<vmem>>, vector<32xbf16>,
      tpu.vector_store %arg13[%swap3A_103, %swap3A_104], %broadcast_in_dim3A_4 {strides = array<i32>} : memref<64x256xbf16, #tpu.memory_space<vmem>>, vector<32xbf16>,
      %swap3A_106 = arith.index_cast %scan3A_92 : i32 to index
      %swap3A_107 = arith.constant 128 : index
      %swap3A_108 = tpu.vector_load %arg13[%swap3A_106, %swap3A_107] {strides = array<i32>} : memref<64x256xbf16, #tpu.memory_space<vmem>>, vector<32xbf16>,
      tpu.vector_store %arg13[%swap3A_106, %swap3A_107], %broadcast_in_dim3A_4 {strides = array<i32>} : memref<64x256xbf16, #tpu.memory_space<vmem>>, vector<32xbf16>,
      %swap3A_109 = arith.index_cast %scan3A_92 : i32 to index
      %swap3A_110 = arith.constant 160 : index
      %swap3A_111 = tpu.vector_load %arg13[%swap3A_109, %swap3A_110] {strides = array<i32>} : memref<64x256xbf16, #tpu.memory_space<vmem>>, vector<32xbf16>,
      tpu.vector_store %arg13[%swap3A_109, %swap3A_110], %broadcast_in_dim3A_4 {strides = array<i32>} : memref<64x256xbf16, #tpu.memory_space<vmem>>, vector<32xbf16>,
      %swap3A_112 = arith.index_cast %scan3A_92 : i32 to index
      %swap3A_113 = arith.constant 192 : index
      %swap3A_114 = tpu.vector_load %arg13[%swap3A_112, %swap3A_113] {strides = array<i32>} : memref<64x256xbf16, #tpu.memory_space<vmem>>, vector<32xbf16>,
      tpu.vector_store %arg13[%swap3A_112, %swap3A_113], %broadcast_in_dim3A_4 {strides = array<i32>} : memref<64x256xbf16, #tpu.memory_space<vmem>>, vector<32xbf16>,
      %swap3A_115 = arith.index_cast %scan3A_92 : i32 to index
      %swap3A_116 = arith.constant 224 : index
      %swap3A_117 = tpu.vector_load %arg13[%swap3A_115, %swap3A_116] {strides = array<i32>} : memref<64x256xbf16, #tpu.memory_space<vmem>>, vector<32xbf16>,
      tpu.vector_store %arg13[%swap3A_115, %swap3A_116], %broadcast_in_dim3A_4 {strides = array<i32>} : memref<64x256xbf16, #tpu.memory_space<vmem>>, vector<32xbf16>,
      %scan3A_118 = arith.constant 0 : i32
      scf.yield %scan3A_118 : i32
    }
    %scan3A_10 = arith.constant 64 : i32
    %scan3A_11 = arith.constant 0 : i32
    %scan3A_12 = arith.constant 0 : i32
    %scan3A_13 = arith.constant 640 : i32
    %scan3A_14 = arith.addi %scan3A_12, %scan3A_13 : i32
    %scan3A_15 = arith.constant 1 : i32
    %scan3A_16 = scf.for %scan3A_92 = %scan3A_12 to %scan3A_14 step %scan3A_15 iter_args(%scan3A_93 = %scan3A_11) -> (i32)  : i32 {
      %mul3A_94 = arith.constant 16 : i32
      %mul3A_95 = arith.muli %scan3A_92, %mul3A_94 : i32
      %swap3A_96 = arith.index_cast %mul3A_95 : i32 to index
      %swap3A_97 = tpu.vector_load %arg15[%swap3A_96] {strides = array<i32>} : memref<10240xf32, #tpu.memory_space<vmem>>, vector<16xf32>,
      tpu.vector_store %arg15[%swap3A_96], %broadcast_in_dim3A_0 {strides = array<i32>} : memref<10240xf32, #tpu.memory_space<vmem>>, vector<16xf32>,
      %scan3A_98 = arith.constant 0 : i32
      scf.yield %scan3A_98 : i32
    }
    %scan3A_17 = arith.constant 640 : i32
    %scan3A_18 = arith.constant 0 : i32
    %scan3A_19 = arith.constant 0 : i32
    %scan3A_20 = arith.constant 10 : i32
    %scan3A_21 = arith.addi %scan3A_19, %scan3A_20 : i32
    %scan3A_22 = arith.constant 1 : i32
    %scan3A_23 = scf.for %scan3A_92 = %scan3A_19 to %scan3A_21 step %scan3A_22 iter_args(%scan3A_93 = %scan3A_18) -> (i32)  : i32 {
      %mul3A_94 = arith.constant 640 : i32
      %mul3A_95 = arith.muli %arg1, %mul3A_94 : i32
      %mul3A_96 = arith.constant 64 : i32
      %mul3A_97 = arith.muli %scan3A_92, %mul3A_96 : i32
      %add3A = arith.addi %mul3A_95, %mul3A_97 : i32
      "tpu.region"() ({
        %run_scoped3A = tpu.sem_alloc : memref<!tpu.dma_semaphore, #tpu.memory_space<semaphore_mem>>
        %dma_start3A_99 = arith.constant 0 : i32
        %dma_start3A_100 = tpu.memref_slice %arg16[%add3A, %dma_start3A_99] : memref<10240x256xbf16, #tpu.memory_space<vmem_shared>> -> memref<64x256xbf16, #tpu.memory_space<vmem_shared>>
        %dma_start3A_101 = arith.constant 0 : i32
        %dma_start3A_102 = tpu.memref_slice %arg16[%add3A, %dma_start3A_101] : memref<10240x256xbf16, #tpu.memory_space<vmem_shared>> -> memref<64x256xbf16, #tpu.memory_space<vmem_shared>>
        tpu.enqueue_dma source(%arg13 : memref<64x256xbf16, #tpu.memory_space<vmem>>) target(%dma_start3A_102 : memref<64x256xbf16, #tpu.memory_space<vmem_shared>>) target_semaphore(%run_scoped3A : memref<!tpu.dma_semaphore, #tpu.memory_space<semaphore_mem>>)
        %dma_wait3A_103 = arith.constant 0 : i32
        %dma_wait3A_104 = tpu.memref_slice %arg16[%add3A, %dma_wait3A_103] : memref<10240x256xbf16, #tpu.memory_space<vmem_shared>> -> memref<64x256xbf16, #tpu.memory_space<vmem_shared>>
        %dma_wait3A_105 = arith.constant 0 : i32
        %dma_wait3A_106 = tpu.memref_slice %arg16[%add3A, %dma_wait3A_105] : memref<10240x256xbf16, #tpu.memory_space<vmem_shared>> -> memref<64x256xbf16, #tpu.memory_space<vmem_shared>>
        tpu.wait_dma2 semaphore(%run_scoped3A : memref<!tpu.dma_semaphore, #tpu.memory_space<semaphore_mem>>) src(%arg13 : memref<64x256xbf16, #tpu.memory_space<vmem>>) dst(%dma_wait3A_106 : memref<64x256xbf16, #tpu.memory_space<vmem_shared>>)
        tpu.yield
      }) : () -> ()
      %scan3A_98 = arith.constant 0 : i32
      scf.yield %scan3A_98 : i32
    }
    %scan3A_24 = arith.constant 10 : i32
    %barrier3A = arith.constant 0 : index
    tpu.barrier barrier_id(%barrier3A)
    %scan3A_25 = arith.constant 0 : i32
    %scan3A_26 = arith.constant 0 : i32
    %scan3A_27 = arith.constant 39 : i32
    %scan3A_28 = arith.addi %scan3A_26, %scan3A_27 : i32
    %scan3A_29 = arith.constant 1 : i32
    %scan3A_30 = scf.for %scan3A_92 = %scan3A_26 to %scan3A_28 step %scan3A_29 iter_args(%scan3A_93 = %scan3A_25) -> (i32)  : i32 {
      %mul3A_94 = arith.constant 2 : i32
      %mul3A_95 = arith.muli %mul3A_94, %scan3A_92 : i32
      %add3A = arith.constant 0 : i32
      %add3A_96 = arith.addi %mul3A_95, %add3A : i32
      %get3A_97 = arith.index_cast %add3A_96 : i32 to index
      %get3A_98 = arith.constant 0 : index
      %get3A_99 = tpu.vector_load %arg7[%get3A_97, %get3A_98] {strides = array<i32>} : memref<79x64xi32, #tpu.memory_space<vmem>>, vector<16xi32>,
      %swap3A_100 = arith.constant 0 : index
      %swap3A_101 = tpu.vector_load %arg9[%swap3A_100] {strides = array<i32>} : memref<64xi32, #tpu.memory_space<vmem>>, vector<16xi32>,
      tpu.vector_store %arg9[%swap3A_100], %get3A_99 {strides = array<i32>} : memref<64xi32, #tpu.memory_space<vmem>>, vector<16xi32>,
      %get3A_102 = arith.index_cast %add3A_96 : i32 to index
      %get3A_103 = arith.constant 0 : index
      %get3A_104 = tpu.vector_load %arg8[%get3A_102, %get3A_103] {strides = array<i32>} : memref<79x64xi32, #tpu.memory_space<vmem>>, vector<16xi32>,
      %swap3A_105 = arith.constant 0 : index
      %swap3A_106 = tpu.vector_load %arg11[%swap3A_105] {strides = array<i32>} : memref<64xi32, #tpu.memory_space<vmem>>, vector<16xi32>,
      tpu.vector_store %arg11[%swap3A_105], %get3A_104 {strides = array<i32>} : memref<64xi32, #tpu.memory_space<vmem>>, vector<16xi32>,
      tpu.vector_store_idx %arg15[%get3A_104], %broadcast_in_dim3A_2 {add = true} : memref<10240xf32, #tpu.memory_space<vmem>>[vector<16xi32>], vector<16xf32>,
      %get3A_107 = arith.index_cast %add3A_96 : i32 to index
      %get3A_108 = arith.constant 16 : index
      %get3A_109 = tpu.vector_load %arg7[%get3A_107, %get3A_108] {strides = array<i32>} : memref<79x64xi32, #tpu.memory_space<vmem>>, vector<16xi32>,
      %swap3A_110 = arith.constant 16 : index
      %swap3A_111 = tpu.vector_load %arg9[%swap3A_110] {strides = array<i32>} : memref<64xi32, #tpu.memory_space<vmem>>, vector<16xi32>,
      tpu.vector_store %arg9[%swap3A_110], %get3A_109 {strides = array<i32>} : memref<64xi32, #tpu.memory_space<vmem>>, vector<16xi32>,
      %get3A_112 = arith.index_cast %add3A_96 : i32 to index
      %get3A_113 = arith.constant 16 : index
      %get3A_114 = tpu.vector_load %arg8[%get3A_112, %get3A_113] {strides = array<i32>} : memref<79x64xi32, #tpu.memory_space<vmem>>, vector<16xi32>,
      %swap3A_115 = arith.constant 16 : index
      %swap3A_116 = tpu.vector_load %arg11[%swap3A_115] {strides = array<i32>} : memref<64xi32, #tpu.memory_space<vmem>>, vector<16xi32>,
      tpu.vector_store %arg11[%swap3A_115], %get3A_114 {strides = array<i32>} : memref<64xi32, #tpu.memory_space<vmem>>, vector<16xi32>,
      tpu.vector_store_idx %arg15[%get3A_114], %broadcast_in_dim3A_2 {add = true} : memref<10240xf32, #tpu.memory_space<vmem>>[vector<16xi32>], vector<16xf32>,
      %get3A_117 = arith.index_cast %add3A_96 : i32 to index
      %get3A_118 = arith.constant 32 : index
      %get3A_119 = tpu.vector_load %arg7[%get3A_117, %get3A_118] {strides = array<i32>} : memref<79x64xi32, #tpu.memory_space<vmem>>, vector<16xi32>,
      %swap3A_120 = arith.constant 32 : index
      %swap3A_121 = tpu.vector_load %arg9[%swap3A_120] {strides = array<i32>} : memref<64xi32, #tpu.memory_space<vmem>>, vector<16xi32>,
      tpu.vector_store %arg9[%swap3A_120], %get3A_119 {strides = array<i32>} : memref<64xi32, #tpu.memory_space<vmem>>, vector<16xi32>,
      %get3A_122 = arith.index_cast %add3A_96 : i32 to index
      %get3A_123 = arith.constant 32 : index
      %get3A_124 = tpu.vector_load %arg8[%get3A_122, %get3A_123] {strides = array<i32>} : memref<79x64xi32, #tpu.memory_space<vmem>>, vector<16xi32>,
      %swap3A_125 = arith.constant 32 : index
      %swap3A_126 = tpu.vector_load %arg11[%swap3A_125] {strides = array<i32>} : memref<64xi32, #tpu.memory_space<vmem>>, vector<16xi32>,
      tpu.vector_store %arg11[%swap3A_125], %get3A_124 {strides = array<i32>} : memref<64xi32, #tpu.memory_space<vmem>>, vector<16xi32>,
      tpu.vector_store_idx %arg15[%get3A_124], %broadcast_in_dim3A_2 {add = true} : memref<10240xf32, #tpu.memory_space<vmem>>[vector<16xi32>], vector<16xf32>,
      %get3A_127 = arith.index_cast %add3A_96 : i32 to index
      %get3A_128 = arith.constant 48 : index
      %get3A_129 = tpu.vector_load %arg7[%get3A_127, %get3A_128] {strides = array<i32>} : memref<79x64xi32, #tpu.memory_space<vmem>>, vector<16xi32>,
      %swap3A_130 = arith.constant 48 : index
      %swap3A_131 = tpu.vector_load %arg9[%swap3A_130] {strides = array<i32>} : memref<64xi32, #tpu.memory_space<vmem>>, vector<16xi32>,
      tpu.vector_store %arg9[%swap3A_130], %get3A_129 {strides = array<i32>} : memref<64xi32, #tpu.memory_space<vmem>>, vector<16xi32>,
      %get3A_132 = arith.index_cast %add3A_96 : i32 to index
      %get3A_133 = arith.constant 48 : index
      %get3A_134 = tpu.vector_load %arg8[%get3A_132, %get3A_133] {strides = array<i32>} : memref<79x64xi32, #tpu.memory_space<vmem>>, vector<16xi32>,
      %swap3A_135 = arith.constant 48 : index
      %swap3A_136 = tpu.vector_load %arg11[%swap3A_135] {strides = array<i32>} : memref<64xi32, #tpu.memory_space<vmem>>, vector<16xi32>,
      tpu.vector_store %arg11[%swap3A_135], %get3A_134 {strides = array<i32>} : memref<64xi32, #tpu.memory_space<vmem>>, vector<16xi32>,
      tpu.vector_store_idx %arg15[%get3A_134], %broadcast_in_dim3A_2 {add = true} : memref<10240xf32, #tpu.memory_space<vmem>>[vector<16xi32>], vector<16xf32>,
      %mul3A_137 = arith.constant 2 : i32
      %mul3A_138 = arith.muli %mul3A_137, %scan3A_92 : i32
      %add3A_139 = arith.constant 1 : i32
      %add3A_140 = arith.addi %mul3A_138, %add3A_139 : i32
      %get3A_141 = arith.index_cast %add3A_140 : i32 to index
      %get3A_142 = arith.constant 0 : index
      %get3A_143 = tpu.vector_load %arg7[%get3A_141, %get3A_142] {strides = array<i32>} : memref<79x64xi32, #tpu.memory_space<vmem>>, vector<16xi32>,
      %swap3A_144 = arith.constant 0 : index
      %swap3A_145 = tpu.vector_load %arg10[%swap3A_144] {strides = array<i32>} : memref<64xi32, #tpu.memory_space<vmem>>, vector<16xi32>,
      tpu.vector_store %arg10[%swap3A_144], %get3A_143 {strides = array<i32>} : memref<64xi32, #tpu.memory_space<vmem>>, vector<16xi32>,
      %get3A_146 = arith.index_cast %add3A_140 : i32 to index
      %get3A_147 = arith.constant 0 : index
      %get3A_148 = tpu.vector_load %arg8[%get3A_146, %get3A_147] {strides = array<i32>} : memref<79x64xi32, #tpu.memory_space<vmem>>, vector<16xi32>,
      %swap3A_149 = arith.constant 0 : index
      %swap3A_150 = tpu.vector_load %arg12[%swap3A_149] {strides = array<i32>} : memref<64xi32, #tpu.memory_space<vmem>>, vector<16xi32>,
      tpu.vector_store %arg12[%swap3A_149], %get3A_148 {strides = array<i32>} : memref<64xi32, #tpu.memory_space<vmem>>, vector<16xi32>,
      tpu.vector_store_idx %arg15[%get3A_148], %broadcast_in_dim3A_2 {add = true} : memref<10240xf32, #tpu.memory_space<vmem>>[vector<16xi32>], vector<16xf32>,
      %get3A_151 = arith.index_cast %add3A_140 : i32 to index
      %get3A_152 = arith.constant 16 : index
      %get3A_153 = tpu.vector_load %arg7[%get3A_151, %get3A_152] {strides = array<i32>} : memref<79x64xi32, #tpu.memory_space<vmem>>, vector<16xi32>,
      %swap3A_154 = arith.constant 16 : index
      %swap3A_155 = tpu.vector_load %arg10[%swap3A_154] {strides = array<i32>} : memref<64xi32, #tpu.memory_space<vmem>>, vector<16xi32>,
      tpu.vector_store %arg10[%swap3A_154], %get3A_153 {strides = array<i32>} : memref<64xi32, #tpu.memory_space<vmem>>, vector<16xi32>,
      %get3A_156 = arith.index_cast %add3A_140 : i32 to index
      %get3A_157 = arith.constant 16 : index
      %get3A_158 = tpu.vector_load %arg8[%get3A_156, %get3A_157] {strides = array<i32>} : memref<79x64xi32, #tpu.memory_space<vmem>>, vector<16xi32>,
      %swap3A_159 = arith.constant 16 : index
      %swap3A_160 = tpu.vector_load %arg12[%swap3A_159] {strides = array<i32>} : memref<64xi32, #tpu.memory_space<vmem>>, vector<16xi32>,
      tpu.vector_store %arg12[%swap3A_159], %get3A_158 {strides = array<i32>} : memref<64xi32, #tpu.memory_space<vmem>>, vector<16xi32>,
      tpu.vector_store_idx %arg15[%get3A_158], %broadcast_in_dim3A_2 {add = true} : memref<10240xf32, #tpu.memory_space<vmem>>[vector<16xi32>], vector<16xf32>,
      %get3A_161 = arith.index_cast %add3A_140 : i32 to index
      %get3A_162 = arith.constant 32 : index
      %get3A_163 = tpu.vector_load %arg7[%get3A_161, %get3A_162] {strides = array<i32>} : memref<79x64xi32, #tpu.memory_space<vmem>>, vector<16xi32>,
      %swap3A_164 = arith.constant 32 : index
      %swap3A_165 = tpu.vector_load %arg10[%swap3A_164] {strides = array<i32>} : memref<64xi32, #tpu.memory_space<vmem>>, vector<16xi32>,
      tpu.vector_store %arg10[%swap3A_164], %get3A_163 {strides = array<i32>} : memref<64xi32, #tpu.memory_space<vmem>>, vector<16xi32>,
      %get3A_166 = arith.index_cast %add3A_140 : i32 to index
      %get3A_167 = arith.constant 32 : index
      %get3A_168 = tpu.vector_load %arg8[%get3A_166, %get3A_167] {strides = array<i32>} : memref<79x64xi32, #tpu.memory_space<vmem>>, vector<16xi32>,
      %swap3A_169 = arith.constant 32 : index
      %swap3A_170 = tpu.vector_load %arg12[%swap3A_169] {strides = array<i32>} : memref<64xi32, #tpu.memory_space<vmem>>, vector<16xi32>,
      tpu.vector_store %arg12[%swap3A_169], %get3A_168 {strides = array<i32>} : memref<64xi32, #tpu.memory_space<vmem>>, vector<16xi32>,
      tpu.vector_store_idx %arg15[%get3A_168], %broadcast_in_dim3A_2 {add = true} : memref<10240xf32, #tpu.memory_space<vmem>>[vector<16xi32>], vector<16xf32>,
      %get3A_171 = arith.index_cast %add3A_140 : i32 to index
      %get3A_172 = arith.constant 48 : index
      %get3A_173 = tpu.vector_load %arg7[%get3A_171, %get3A_172] {strides = array<i32>} : memref<79x64xi32, #tpu.memory_space<vmem>>, vector<16xi32>,
      %swap3A_174 = arith.constant 48 : index
      %swap3A_175 = tpu.vector_load %arg10[%swap3A_174] {strides = array<i32>} : memref<64xi32, #tpu.memory_space<vmem>>, vector<16xi32>,
      tpu.vector_store %arg10[%swap3A_174], %get3A_173 {strides = array<i32>} : memref<64xi32, #tpu.memory_space<vmem>>, vector<16xi32>,
      %get3A_176 = arith.index_cast %add3A_140 : i32 to index
      %get3A_177 = arith.constant 48 : index
      %get3A_178 = tpu.vector_load %arg8[%get3A_176, %get3A_177] {strides = array<i32>} : memref<79x64xi32, #tpu.memory_space<vmem>>, vector<16xi32>,
      %swap3A_179 = arith.constant 48 : index
      %swap3A_180 = tpu.vector_load %arg12[%swap3A_179] {strides = array<i32>} : memref<64xi32, #tpu.memory_space<vmem>>, vector<16xi32>,
      tpu.vector_store %arg12[%swap3A_179], %get3A_178 {strides = array<i32>} : memref<64xi32, #tpu.memory_space<vmem>>, vector<16xi32>,
      tpu.vector_store_idx %arg15[%get3A_178], %broadcast_in_dim3A_2 {add = true} : memref<10240xf32, #tpu.memory_space<vmem>>[vector<16xi32>], vector<16xf32>,
      %dma_start3A_181 = arith.constant 0 : i32
      %dma_start3A_182 = arith.constant 0 : i32
      %dma_start3A_183 = tpu.memref_slice %arg2[%dma_start3A_181, %dma_start3A_182] : memref<10000x256xbf16, #tpu.memory_space<hbm>> -> memref<10000x256xbf16, #tpu.memory_space<hbm>>
      tpu.enqueue_indirect_dma source(%dma_start3A_183 : memref<10000x256xbf16, #tpu.memory_space<hbm>>) target(%arg13 : memref<64x256xbf16, #tpu.memory_space<vmem>>) offsets(%arg9 : memref<64xi32, #tpu.memory_space<vmem>>) semaphore(%arg17 : memref<!tpu.dma_semaphore, #tpu.memory_space<semaphore_mem>>)
      %dma_start3A_184 = arith.constant 0 : i32
      %dma_start3A_185 = arith.constant 0 : i32
      %dma_start3A_186 = tpu.memref_slice %arg2[%dma_start3A_184, %dma_start3A_185] : memref<10000x256xbf16, #tpu.memory_space<hbm>> -> memref<10000x256xbf16, #tpu.memory_space<hbm>>
      tpu.enqueue_indirect_dma source(%dma_start3A_186 : memref<10000x256xbf16, #tpu.memory_space<hbm>>) target(%arg14 : memref<64x256xbf16, #tpu.memory_space<vmem>>) offsets(%arg10 : memref<64xi32, #tpu.memory_space<vmem>>) semaphore(%arg18 : memref<!tpu.dma_semaphore, #tpu.memory_space<semaphore_mem>>)
      %dma_wait3A_187 = arith.constant 0 : i32
      %dma_wait3A_188 = arith.constant 0 : i32
      %dma_wait3A_189 = tpu.memref_slice %arg2[%dma_wait3A_187, %dma_wait3A_188] : memref<10000x256xbf16, #tpu.memory_space<hbm>> -> memref<10000x256xbf16, #tpu.memory_space<hbm>>
      tpu.wait_indirect_dma semaphore(%arg17 : memref<!tpu.dma_semaphore, #tpu.memory_space<semaphore_mem>>) src(%dma_wait3A_189 : memref<10000x256xbf16, #tpu.memory_space<hbm>>) dst(%arg13 : memref<64x256xbf16, #tpu.memory_space<vmem>>)
      %dma_start3A_190 = arith.constant 0 : i32
      %dma_start3A_191 = arith.constant 0 : i32
      %dma_start3A_192 = tpu.memref_slice %arg16[%dma_start3A_190, %dma_start3A_191] : memref<10240x256xbf16, #tpu.memory_space<vmem_shared>> -> memref<10240x256xbf16, #tpu.memory_space<vmem_shared>>
      tpu.enqueue_indirect_dma source(%arg13 : memref<64x256xbf16, #tpu.memory_space<vmem>>) target(%dma_start3A_192 : memref<10240x256xbf16, #tpu.memory_space<vmem_shared>>) offsets(%arg11 : memref<64xi32, #tpu.memory_space<vmem>>) semaphore(%arg19 : memref<!tpu.dma_semaphore, #tpu.memory_space<semaphore_mem>>) {add = true}
      %dma_wait3A_193 = arith.constant 0 : i32
      %dma_wait3A_194 = arith.constant 0 : i32
      %dma_wait3A_195 = tpu.memref_slice %arg2[%dma_wait3A_193, %dma_wait3A_194] : memref<10000x256xbf16, #tpu.memory_space<hbm>> -> memref<10000x256xbf16, #tpu.memory_space<hbm>>
      tpu.wait_indirect_dma semaphore(%arg18 : memref<!tpu.dma_semaphore, #tpu.memory_space<semaphore_mem>>) src(%dma_wait3A_195 : memref<10000x256xbf16, #tpu.memory_space<hbm>>) dst(%arg14 : memref<64x256xbf16, #tpu.memory_space<vmem>>)
      %dma_start3A_196 = arith.constant 0 : i32
      %dma_start3A_197 = arith.constant 0 : i32
      %dma_start3A_198 = tpu.memref_slice %arg16[%dma_start3A_196, %dma_start3A_197] : memref<10240x256xbf16, #tpu.memory_space<vmem_shared>> -> memref<10240x256xbf16, #tpu.memory_space<vmem_shared>>
      tpu.enqueue_indirect_dma source(%arg14 : memref<64x256xbf16, #tpu.memory_space<vmem>>) target(%dma_start3A_198 : memref<10240x256xbf16, #tpu.memory_space<vmem_shared>>) offsets(%arg12 : memref<64xi32, #tpu.memory_space<vmem>>) semaphore(%arg20 : memref<!tpu.dma_semaphore, #tpu.memory_space<semaphore_mem>>) {add = true}
      %dma_wait3A_199 = arith.constant 0 : i32
      %dma_wait3A_200 = arith.constant 0 : i32
      %dma_wait3A_201 = tpu.memref_slice %arg16[%dma_wait3A_199, %dma_wait3A_200] : memref<10240x256xbf16, #tpu.memory_space<vmem_shared>> -> memref<10240x256xbf16, #tpu.memory_space<vmem_shared>>
      tpu.wait_indirect_dma semaphore(%arg19 : memref<!tpu.dma_semaphore, #tpu.memory_space<semaphore_mem>>) src(%arg13 : memref<64x256xbf16, #tpu.memory_space<vmem>>) dst(%dma_wait3A_201 : memref<10240x256xbf16, #tpu.memory_space<vmem_shared>>)
      %dma_wait3A_202 = arith.constant 0 : i32
      %dma_wait3A_203 = arith.constant 0 : i32
      %dma_wait3A_204 = tpu.memref_slice %arg16[%dma_wait3A_202, %dma_wait3A_203] : memref<10240x256xbf16, #tpu.memory_space<vmem_shared>> -> memref<10240x256xbf16, #tpu.memory_space<vmem_shared>>
      tpu.wait_indirect_dma semaphore(%arg20 : memref<!tpu.dma_semaphore, #tpu.memory_space<semaphore_mem>>) src(%arg14 : memref<64x256xbf16, #tpu.memory_space<vmem>>) dst(%dma_wait3A_204 : memref<10240x256xbf16, #tpu.memory_space<vmem_shared>>)
      %scan3A_205 = arith.constant 0 : i32
      scf.yield %scan3A_205 : i32
    }
    %scan3A_31 = arith.constant 39 : i32
    %get3A = arith.constant 78 : i32
    %get3A_32 = arith.index_cast %get3A : i32 to index
    %get3A_33 = arith.constant 0 : index
    %get3A_34 = tpu.vector_load %arg7[%get3A_32, %get3A_33] {strides = array<i32>} : memref<79x64xi32, #tpu.memory_space<vmem>>, vector<16xi32>,
    %swap3A = arith.constant 0 : index
    %swap3A_35 = tpu.vector_load %arg9[%swap3A] {strides = array<i32>} : memref<64xi32, #tpu.memory_space<vmem>>, vector<16xi32>,
    tpu.vector_store %arg9[%swap3A], %get3A_34 {strides = array<i32>} : memref<64xi32, #tpu.memory_space<vmem>>, vector<16xi32>,
    %get3A_36 = arith.constant 78 : i32
    %get3A_37 = arith.index_cast %get3A_36 : i32 to index
    %get3A_38 = arith.constant 0 : index
    %get3A_39 = tpu.vector_load %arg8[%get3A_37, %get3A_38] {strides = array<i32>} : memref<79x64xi32, #tpu.memory_space<vmem>>, vector<16xi32>,
    %swap3A_40 = arith.constant 0 : index
    %swap3A_41 = tpu.vector_load %arg11[%swap3A_40] {strides = array<i32>} : memref<64xi32, #tpu.memory_space<vmem>>, vector<16xi32>,
    tpu.vector_store %arg11[%swap3A_40], %get3A_39 {strides = array<i32>} : memref<64xi32, #tpu.memory_space<vmem>>, vector<16xi32>,
    tpu.vector_store_idx %arg15[%get3A_39], %broadcast_in_dim3A_2 {add = true} : memref<10240xf32, #tpu.memory_space<vmem>>[vector<16xi32>], vector<16xf32>,
    %get3A_42 = arith.constant 78 : i32
    %get3A_43 = arith.index_cast %get3A_42 : i32 to index
    %get3A_44 = arith.constant 16 : index
    %get3A_45 = tpu.vector_load %arg7[%get3A_43, %get3A_44] {strides = array<i32>} : memref<79x64xi32, #tpu.memory_space<vmem>>, vector<16xi32>,
    %swap3A_46 = arith.constant 16 : index
    %swap3A_47 = tpu.vector_load %arg9[%swap3A_46] {strides = array<i32>} : memref<64xi32, #tpu.memory_space<vmem>>, vector<16xi32>,
    tpu.vector_store %arg9[%swap3A_46], %get3A_45 {strides = array<i32>} : memref<64xi32, #tpu.memory_space<vmem>>, vector<16xi32>,
    %get3A_48 = arith.constant 78 : i32
    %get3A_49 = arith.index_cast %get3A_48 : i32 to index
    %get3A_50 = arith.constant 16 : index
    %get3A_51 = tpu.vector_load %arg8[%get3A_49, %get3A_50] {strides = array<i32>} : memref<79x64xi32, #tpu.memory_space<vmem>>, vector<16xi32>,
    %swap3A_52 = arith.constant 16 : index
    %swap3A_53 = tpu.vector_load %arg11[%swap3A_52] {strides = array<i32>} : memref<64xi32, #tpu.memory_space<vmem>>, vector<16xi32>,
    tpu.vector_store %arg11[%swap3A_52], %get3A_51 {strides = array<i32>} : memref<64xi32, #tpu.memory_space<vmem>>, vector<16xi32>,
    tpu.vector_store_idx %arg15[%get3A_51], %broadcast_in_dim3A_2 {add = true} : memref<10240xf32, #tpu.memory_space<vmem>>[vector<16xi32>], vector<16xf32>,
    %get3A_54 = arith.constant 78 : i32
    %get3A_55 = arith.index_cast %get3A_54 : i32 to index
    %get3A_56 = arith.constant 32 : index
    %get3A_57 = tpu.vector_load %arg7[%get3A_55, %get3A_56] {strides = array<i32>} : memref<79x64xi32, #tpu.memory_space<vmem>>, vector<16xi32>,
    %swap3A_58 = arith.constant 32 : index
    %swap3A_59 = tpu.vector_load %arg9[%swap3A_58] {strides = array<i32>} : memref<64xi32, #tpu.memory_space<vmem>>, vector<16xi32>,
    tpu.vector_store %arg9[%swap3A_58], %get3A_57 {strides = array<i32>} : memref<64xi32, #tpu.memory_space<vmem>>, vector<16xi32>,
    %get3A_60 = arith.constant 78 : i32
    %get3A_61 = arith.index_cast %get3A_60 : i32 to index
    %get3A_62 = arith.constant 32 : index
    %get3A_63 = tpu.vector_load %arg8[%get3A_61, %get3A_62] {strides = array<i32>} : memref<79x64xi32, #tpu.memory_space<vmem>>, vector<16xi32>,
    %swap3A_64 = arith.constant 32 : index
    %swap3A_65 = tpu.vector_load %arg11[%swap3A_64] {strides = array<i32>} : memref<64xi32, #tpu.memory_space<vmem>>, vector<16xi32>,
    tpu.vector_store %arg11[%swap3A_64], %get3A_63 {strides = array<i32>} : memref<64xi32, #tpu.memory_space<vmem>>, vector<16xi32>,
    tpu.vector_store_idx %arg15[%get3A_63], %broadcast_in_dim3A_2 {add = true} : memref<10240xf32, #tpu.memory_space<vmem>>[vector<16xi32>], vector<16xf32>,
    %get3A_66 = arith.constant 78 : i32
    %get3A_67 = arith.index_cast %get3A_66 : i32 to index
    %get3A_68 = arith.constant 48 : index
    %get3A_69 = tpu.vector_load %arg7[%get3A_67, %get3A_68] {strides = array<i32>} : memref<79x64xi32, #tpu.memory_space<vmem>>, vector<16xi32>,
    %swap3A_70 = arith.constant 48 : index
    %swap3A_71 = tpu.vector_load %arg9[%swap3A_70] {strides = array<i32>} : memref<64xi32, #tpu.memory_space<vmem>>, vector<16xi32>,
    tpu.vector_store %arg9[%swap3A_70], %get3A_69 {strides = array<i32>} : memref<64xi32, #tpu.memory_space<vmem>>, vector<16xi32>,
    %get3A_72 = arith.constant 78 : i32
    %get3A_73 = arith.index_cast %get3A_72 : i32 to index
    %get3A_74 = arith.constant 48 : index
    %get3A_75 = tpu.vector_load %arg8[%get3A_73, %get3A_74] {strides = array<i32>} : memref<79x64xi32, #tpu.memory_space<vmem>>, vector<16xi32>,
    %swap3A_76 = arith.constant 48 : index
    %swap3A_77 = tpu.vector_load %arg11[%swap3A_76] {strides = array<i32>} : memref<64xi32, #tpu.memory_space<vmem>>, vector<16xi32>,
    tpu.vector_store %arg11[%swap3A_76], %get3A_75 {strides = array<i32>} : memref<64xi32, #tpu.memory_space<vmem>>, vector<16xi32>,
    tpu.vector_store_idx %arg15[%get3A_75], %broadcast_in_dim3A_2 {add = true} : memref<10240xf32, #tpu.memory_space<vmem>>[vector<16xi32>], vector<16xf32>,
    %dma_start3A = arith.constant 0 : i32
    %dma_start3A_78 = arith.constant 0 : i32
    %dma_start3A_79 = tpu.memref_slice %arg2[%dma_start3A, %dma_start3A_78] : memref<10000x256xbf16, #tpu.memory_space<hbm>> -> memref<10000x256xbf16, #tpu.memory_space<hbm>>
    tpu.enqueue_indirect_dma source(%dma_start3A_79 : memref<10000x256xbf16, #tpu.memory_space<hbm>>) target(%arg13 : memref<64x256xbf16, #tpu.memory_space<vmem>>) offsets(%arg9 : memref<64xi32, #tpu.memory_space<vmem>>) semaphore(%arg17 : memref<!tpu.dma_semaphore, #tpu.memory_space<semaphore_mem>>)
    %dma_wait3A = arith.constant 0 : i32
    %dma_wait3A_80 = arith.constant 0 : i32
    %dma_wait3A_81 = tpu.memref_slice %arg2[%dma_wait3A, %dma_wait3A_80] : memref<10000x256xbf16, #tpu.memory_space<hbm>> -> memref<10000x256xbf16, #tpu.memory_space<hbm>>
    tpu.wait_indirect_dma semaphore(%arg17 : memref<!tpu.dma_semaphore, #tpu.memory_space<semaphore_mem>>) src(%dma_wait3A_81 : memref<10000x256xbf16, #tpu.memory_space<hbm>>) dst(%arg13 : memref<64x256xbf16, #tpu.memory_space<vmem>>)
    %dma_start3A_82 = arith.constant 0 : i32
    %dma_start3A_83 = arith.constant 0 : i32
    %dma_start3A_84 = tpu.memref_slice %arg16[%dma_start3A_82, %dma_start3A_83] : memref<10240x256xbf16, #tpu.memory_space<vmem_shared>> -> memref<10240x256xbf16, #tpu.memory_space<vmem_shared>>
    tpu.enqueue_indirect_dma source(%arg13 : memref<64x256xbf16, #tpu.memory_space<vmem>>) target(%dma_start3A_84 : memref<10240x256xbf16, #tpu.memory_space<vmem_shared>>) offsets(%arg11 : memref<64xi32, #tpu.memory_space<vmem>>) semaphore(%arg19 : memref<!tpu.dma_semaphore, #tpu.memory_space<semaphore_mem>>) {add = true}
    %dma_wait3A_85 = arith.constant 0 : i32
    %dma_wait3A_86 = arith.constant 0 : i32
    %dma_wait3A_87 = tpu.memref_slice %arg16[%dma_wait3A_85, %dma_wait3A_86] : memref<10240x256xbf16, #tpu.memory_space<vmem_shared>> -> memref<10240x256xbf16, #tpu.memory_space<vmem_shared>>
    tpu.wait_indirect_dma semaphore(%arg19 : memref<!tpu.dma_semaphore, #tpu.memory_space<semaphore_mem>>) src(%arg13 : memref<64x256xbf16, #tpu.memory_space<vmem>>) dst(%dma_wait3A_87 : memref<10240x256xbf16, #tpu.memory_space<vmem_shared>>)
    %barrier3A_88 = arith.constant 0 : index
    tpu.barrier barrier_id(%barrier3A_88)
    %mul3A = arith.constant 640 : i32
    %mul3A_89 = arith.muli %arg1, %mul3A : i32
    %mul3A_90 = arith.constant 640 : i32
    %mul3A_91 = arith.muli %arg1, %mul3A_90 : i32
    "tpu.region"() ({
      %run_scoped3A = tpu.sem_alloc : memref<!tpu.dma_semaphore, #tpu.memory_space<semaphore_mem>>
      %dma_start3A_92 = arith.constant 0 : i32
      %dma_start3A_93 = tpu.memref_slice %arg5[%arg0, %mul3A_91, %dma_start3A_92] : memref<2x10240x256xbf16, #tpu.memory_space<hbm>> -> memref<1x640x256xbf16, #tpu.memory_space<hbm>>
      %dma_start3A_94 = tpu.memref_squeeze %dma_start3A_93 : memref<1x640x256xbf16, #tpu.memory_space<hbm>> -> memref<640x256xbf16, #tpu.memory_space<hbm>>
      %dma_start3A_95 = arith.constant 0 : i32
      %dma_start3A_96 = tpu.memref_slice %arg16[%mul3A_89, %dma_start3A_95] : memref<10240x256xbf16, #tpu.memory_space<vmem_shared>> -> memref<640x256xbf16, #tpu.memory_space<vmem_shared>>
      tpu.enqueue_dma source(%dma_start3A_96 : memref<640x256xbf16, #tpu.memory_space<vmem_shared>>) target(%dma_start3A_94 : memref<640x256xbf16, #tpu.memory_space<hbm>>) target_semaphore(%run_scoped3A : memref<!tpu.dma_semaphore, #tpu.memory_space<semaphore_mem>>)
      %dma_wait3A_97 = arith.constant 0 : i32
      %dma_wait3A_98 = tpu.memref_slice %arg5[%arg0, %mul3A_91, %dma_wait3A_97] : memref<2x10240x256xbf16, #tpu.memory_space<hbm>> -> memref<1x640x256xbf16, #tpu.memory_space<hbm>>
      %dma_wait3A_99 = tpu.memref_squeeze %dma_wait3A_98 : memref<1x640x256xbf16, #tpu.memory_space<hbm>> -> memref<640x256xbf16, #tpu.memory_space<hbm>>
      %dma_wait3A_100 = arith.constant 0 : i32
      %dma_wait3A_101 = tpu.memref_slice %arg16[%mul3A_89, %dma_wait3A_100] : memref<10240x256xbf16, #tpu.memory_space<vmem_shared>> -> memref<640x256xbf16, #tpu.memory_space<vmem_shared>>
      tpu.wait_dma2 semaphore(%run_scoped3A : memref<!tpu.dma_semaphore, #tpu.memory_space<semaphore_mem>>) src(%dma_wait3A_101 : memref<640x256xbf16, #tpu.memory_space<vmem_shared>>) dst(%dma_wait3A_99 : memref<640x256xbf16, #tpu.memory_space<hbm>>)
      tpu.yield
    }) : () -> ()
    "tpu.region"() ({
      %run_scoped3A = tpu.sem_alloc : memref<!tpu.dma_semaphore, #tpu.memory_space<semaphore_mem>>
      %dma_start3A_92 = arith.constant 0 : i32
      %dma_start3A_93 = tpu.memref_slice %arg6[%arg0, %arg1, %dma_start3A_92] : memref<2x16x10240xf32, #tpu.memory_space<hbm>> -> memref<1x1x10240xf32, #tpu.memory_space<hbm>>
      %dma_start3A_94 = tpu.memref_squeeze %dma_start3A_93 : memref<1x1x10240xf32, #tpu.memory_space<hbm>> -> memref<10240xf32, #tpu.memory_space<hbm>>
      %dma_start3A_95 = arith.constant 0 : i32
      %dma_start3A_96 = tpu.memref_slice %arg6[%arg0, %arg1, %dma_start3A_95] : memref<2x16x10240xf32, #tpu.memory_space<hbm>> -> memref<1x1x10240xf32, #tpu.memory_space<hbm>>
      %dma_start3A_97 = tpu.memref_squeeze %dma_start3A_96 : memref<1x1x10240xf32, #tpu.memory_space<hbm>> -> memref<10240xf32, #tpu.memory_space<hbm>>
      tpu.enqueue_dma source(%arg15 : memref<10240xf32, #tpu.memory_space<vmem>>) target(%dma_start3A_97 : memref<10240xf32, #tpu.memory_space<hbm>>) target_semaphore(%run_scoped3A : memref<!tpu.dma_semaphore, #tpu.memory_space<semaphore_mem>>)
      %dma_wait3A_98 = arith.constant 0 : i32
      %dma_wait3A_99 = tpu.memref_slice %arg6[%arg0, %arg1, %dma_wait3A_98] : memref<2x16x10240xf32, #tpu.memory_space<hbm>> -> memref<1x1x10240xf32, #tpu.memory_space<hbm>>
      %dma_wait3A_100 = tpu.memref_squeeze %dma_wait3A_99 : memref<1x1x10240xf32, #tpu.memory_space<hbm>> -> memref<10240xf32, #tpu.memory_space<hbm>>
      %dma_wait3A_101 = arith.constant 0 : i32
      %dma_wait3A_102 = tpu.memref_slice %arg6[%arg0, %arg1, %dma_wait3A_101] : memref<2x16x10240xf32, #tpu.memory_space<hbm>> -> memref<1x1x10240xf32, #tpu.memory_space<hbm>>
      %dma_wait3A_103 = tpu.memref_squeeze %dma_wait3A_102 : memref<1x1x10240xf32, #tpu.memory_space<hbm>> -> memref<10240xf32, #tpu.memory_space<hbm>>
      tpu.wait_dma2 semaphore(%run_scoped3A : memref<!tpu.dma_semaphore, #tpu.memory_space<semaphore_mem>>) src(%arg15 : memref<10240xf32, #tpu.memory_space<vmem>>) dst(%dma_wait3A_103 : memref<10240xf32, #tpu.memory_space<hbm>>)
      tpu.yield
    }) : () -> ()
    return
  }
}

module attributes {stable_mosaic.version = 14 : i64} {
  func.func @_tc_body(%arg0: i32, %arg1: memref<400x256xf32, #tpu.memory_space<vmem>>, %arg2: memref<1x400x256xbf16, #tpu.memory_space<vmem>>, %arg3: memref<1x400x256xbf16, #tpu.memory_space<vmem>>, %arg4: memref<400x1xf32, #tpu.memory_space<vmem>>, %arg5: memref<256x256xf32, #tpu.memory_space<vmem>>, %arg6: memref<256x256xf32, #tpu.memory_space<vmem>>, %arg7: memref<256x256xf32, #tpu.memory_space<vmem>>, %arg8: memref<1x256xf32, #tpu.memory_space<vmem>>, %arg9: memref<1x256xf32, #tpu.memory_space<vmem>>, %arg10: memref<1x256xf32, #tpu.memory_space<vmem>>, %arg11: memref<400x256xf32, #tpu.memory_space<vmem>>) attributes {dimension_semantics = [#tpu.dimension_semantics<arbitrary>], iteration_bounds = array<i64: 25>, scalar_prefetch = 0 : i64, scratch_operands = 0 : i64, tpu.core_type = #tpu.core_type<tc>, window_params = [{transform_indices = @transform_0, window_bounds = array<i64: 400, 256>}, {transform_indices = @transform_1, window_bounds = array<i64: 1, 400, 256>}, {transform_indices = @transform_2, window_bounds = array<i64: 1, 400, 256>}, {transform_indices = @transform_3, window_bounds = array<i64: 400, 1>}, {pipeline_mode = #tpu.pipeline_mode<synchronous>, transform_indices = @transform_4, window_bounds = array<i64: 256, 256>}, {pipeline_mode = #tpu.pipeline_mode<synchronous>, transform_indices = @transform_5, window_bounds = array<i64: 256, 256>}, {pipeline_mode = #tpu.pipeline_mode<synchronous>, transform_indices = @transform_6, window_bounds = array<i64: 256, 256>}, {pipeline_mode = #tpu.pipeline_mode<synchronous>, transform_indices = @transform_7, window_bounds = array<i64: 1, 256>}, {pipeline_mode = #tpu.pipeline_mode<synchronous>, transform_indices = @transform_8, window_bounds = array<i64: 1, 256>}, {pipeline_mode = #tpu.pipeline_mode<synchronous>, transform_indices = @transform_9, window_bounds = array<i64: 1, 256>}, {transform_indices = @transform_10, window_bounds = array<i64: 400, 256>}]} {
    %get3A = arith.constant 0 : index
    %get3A_0 = arith.constant 0 : index
    %get3A_1 = vector.load %arg4[%get3A, %get3A_0] : memref<400x1xf32, #tpu.memory_space<vmem>>, vector<400x1xf32>
    %max3A = arith.constant 1.000000e+00 : f32
    %max3A_2 = vector.broadcast %max3A : f32 to vector<400x1xf32>
    %max3A_3 = arith.maximumf %get3A_1, %max3A_2 : vector<400x1xf32>
    %div3A = arith.constant 1.000000e+00 : f32
    %div3A_4 = vector.broadcast %div3A : f32 to vector<400x1xf32>
    %div3A_5 = arith.divf %div3A_4, %max3A_3 : vector<400x1xf32>
    %get3A_6 = arith.constant 0 : index
    %get3A_7 = arith.constant 0 : index
    %get3A_8 = arith.constant 0 : index
    %get3A_9 = vector.load %arg2[%get3A_6, %get3A_7, %get3A_8] : memref<1x400x256xbf16, #tpu.memory_space<vmem>>, vector<1x400x256xbf16>
    %get3A_10 = vector.shape_cast %get3A_9 : vector<1x400x256xbf16> to vector<400x256xbf16>
    %convert_element_type3A = arith.extf %get3A_10 : vector<400x256xbf16> to vector<400x256xf32>
    %get3A_11 = arith.constant 0 : index
    %get3A_12 = arith.constant 0 : index
    %get3A_13 = arith.constant 0 : index
    %get3A_14 = vector.load %arg3[%get3A_11, %get3A_12, %get3A_13] : memref<1x400x256xbf16, #tpu.memory_space<vmem>>, vector<1x400x256xbf16>
    %get3A_15 = vector.shape_cast %get3A_14 : vector<1x400x256xbf16> to vector<400x256xbf16>
    %convert_element_type3A_16 = arith.extf %get3A_15 : vector<400x256xbf16> to vector<400x256xf32>
    %add3A = arith.addf %convert_element_type3A, %convert_element_type3A_16 : vector<400x256xf32>
    %mul3A = vector.broadcast %div3A_5 : vector<400x1xf32> to vector<400x256xf32>
    %mul3A_17 = arith.mulf %add3A, %mul3A : vector<400x256xf32>
    %get3A_18 = arith.constant 0 : index
    %get3A_19 = arith.constant 0 : index
    %get3A_20 = vector.load %arg6[%get3A_18, %get3A_19] : memref<256x256xf32, #tpu.memory_space<vmem>>, vector<256x256xf32>
    %mul3A_21 = arith.constant 5.000000e-01 : f32
    %mul3A_22 = vector.broadcast %mul3A_21 : f32 to vector<256x256xf32>
    %mul3A_23 = arith.mulf %mul3A_22, %get3A_20 : vector<256x256xf32>
    %get3A_24 = arith.constant 0 : index
    %get3A_25 = arith.constant 0 : index
    %get3A_26 = vector.load %arg5[%get3A_24, %get3A_25] : memref<256x256xf32, #tpu.memory_space<vmem>>, vector<256x256xf32>
    %mul3A_27 = arith.constant 5.000000e-01 : f32
    %mul3A_28 = vector.broadcast %mul3A_27 : f32 to vector<256x256xf32>
    %mul3A_29 = arith.mulf %mul3A_28, %get3A_26 : vector<256x256xf32>
    %add3A_30 = arith.addf %mul3A_23, %mul3A_29 : vector<256x256xf32>
    %get3A_31 = arith.constant 0 : index
    %get3A_32 = arith.constant 0 : index
    %get3A_33 = vector.load %arg9[%get3A_31, %get3A_32] : memref<1x256xf32, #tpu.memory_space<vmem>>, vector<1x256xf32>
    %mul3A_34 = arith.constant 5.000000e-01 : f32
    %mul3A_35 = vector.broadcast %mul3A_34 : f32 to vector<1x256xf32>
    %mul3A_36 = arith.mulf %mul3A_35, %get3A_33 : vector<1x256xf32>
    %get3A_37 = arith.constant 0 : index
    %get3A_38 = arith.constant 0 : index
    %get3A_39 = vector.load %arg8[%get3A_37, %get3A_38] : memref<1x256xf32, #tpu.memory_space<vmem>>, vector<1x256xf32>
    %mul3A_40 = arith.constant 5.000000e-01 : f32
    %mul3A_41 = vector.broadcast %mul3A_40 : f32 to vector<1x256xf32>
    %mul3A_42 = arith.mulf %mul3A_41, %get3A_39 : vector<1x256xf32>
    %add3A_43 = arith.addf %mul3A_36, %mul3A_42 : vector<1x256xf32>
    %get3A_44 = arith.constant 0 : index
    %get3A_45 = arith.constant 0 : index
    %get3A_46 = vector.load %arg10[%get3A_44, %get3A_45] : memref<1x256xf32, #tpu.memory_space<vmem>>, vector<1x256xf32>
    %add3A_47 = arith.addf %add3A_43, %get3A_46 : vector<1x256xf32>
    %dot_general3A = arith.constant dense<0.000000e+00> : vector<400x256xf32>
    %dot_general3A_48 = tpu.matmul %mul3A_17, %add3A_30, %dot_general3A {dimension_numbers = #tpu.dot_dimension_numbers<[1], [0], [0], [1], [0, 0, 1, 1], [], []>, transpose_lhs_hint = false} : vector<400x256xf32>, vector<256x256xf32>, vector<400x256xf32> -> vector<400x256xf32>
    %get3A_49 = arith.constant 0 : index
    %get3A_50 = arith.constant 0 : index
    %get3A_51 = vector.load %arg1[%get3A_49, %get3A_50] : memref<400x256xf32, #tpu.memory_space<vmem>>, vector<400x256xf32>
    %get3A_52 = arith.constant 0 : index
    %get3A_53 = arith.constant 0 : index
    %get3A_54 = vector.load %arg7[%get3A_52, %get3A_53] : memref<256x256xf32, #tpu.memory_space<vmem>>, vector<256x256xf32>
    %dot_general3A_55 = arith.constant dense<0.000000e+00> : vector<400x256xf32>
    %dot_general3A_56 = tpu.matmul %get3A_51, %get3A_54, %dot_general3A_55 {dimension_numbers = #tpu.dot_dimension_numbers<[1], [0], [0], [1], [0, 0, 1, 1], [], []>, transpose_lhs_hint = false} : vector<400x256xf32>, vector<256x256xf32>, vector<400x256xf32> -> vector<400x256xf32>
    %add3A_57 = arith.addf %dot_general3A_48, %dot_general3A_56 : vector<400x256xf32>
    %add3A_58 = vector.broadcast %add3A_47 : vector<1x256xf32> to vector<400x256xf32>
    %add3A_59 = arith.addf %add3A_57, %add3A_58 : vector<400x256xf32>
    %swap3A = arith.constant 0 : index
    %swap3A_60 = arith.constant 0 : index
    %swap3A_61 = vector.load %arg11[%swap3A, %swap3A_60] : memref<400x256xf32, #tpu.memory_space<vmem>>, vector<400x256xf32>
    tpu.vector_store %arg11[%swap3A, %swap3A_60], %add3A_59 {strides = array<i32>} : memref<400x256xf32, #tpu.memory_space<vmem>>, vector<400x256xf32>,
    return
  }
  func.func @transform_0(%arg0: i32) -> (i32, i32) {
    %c0_i32 = arith.constant 0 : i32
    %c0_i32_0 = arith.constant 0 : i32
    return %arg0, %c0_i32 : i32, i32
  }
  func.func @transform_1(%arg0: i32) -> (i32, i32, i32) {
    %c0_i32 = arith.constant 0 : i32
    %c0_i32_0 = arith.constant 0 : i32
    %c0_i32_1 = arith.constant 0 : i32
    return %c0_i32, %arg0, %c0_i32_0 : i32, i32, i32
  }
  func.func @transform_2(%arg0: i32) -> (i32, i32, i32) {
    %c1_i32 = arith.constant 1 : i32
    %c0_i32 = arith.constant 0 : i32
    %c0_i32_0 = arith.constant 0 : i32
    return %c1_i32, %arg0, %c0_i32 : i32, i32, i32
  }
  func.func @transform_3(%arg0: i32) -> (i32, i32) {
    %c0_i32 = arith.constant 0 : i32
    %c0_i32_0 = arith.constant 0 : i32
    return %arg0, %c0_i32 : i32, i32
  }
  func.func @transform_4(%arg0: i32) -> (i32, i32) {
    %c0_i32 = arith.constant 0 : i32
    %c0_i32_0 = arith.constant 0 : i32
    %c0_i32_1 = arith.constant 0 : i32
    return %c0_i32, %c0_i32_0 : i32, i32
  }
  func.func @transform_5(%arg0: i32) -> (i32, i32) {
    %c0_i32 = arith.constant 0 : i32
    %c0_i32_0 = arith.constant 0 : i32
    %c0_i32_1 = arith.constant 0 : i32
    return %c0_i32, %c0_i32_0 : i32, i32
  }
  func.func @transform_6(%arg0: i32) -> (i32, i32) {
    %c0_i32 = arith.constant 0 : i32
    %c0_i32_0 = arith.constant 0 : i32
    %c0_i32_1 = arith.constant 0 : i32
    return %c0_i32, %c0_i32_0 : i32, i32
  }
  func.func @transform_7(%arg0: i32) -> (i32, i32) {
    %c0_i32 = arith.constant 0 : i32
    %c0_i32_0 = arith.constant 0 : i32
    %c0_i32_1 = arith.constant 0 : i32
    return %c0_i32, %c0_i32_0 : i32, i32
  }
  func.func @transform_8(%arg0: i32) -> (i32, i32) {
    %c0_i32 = arith.constant 0 : i32
    %c0_i32_0 = arith.constant 0 : i32
    %c0_i32_1 = arith.constant 0 : i32
    return %c0_i32, %c0_i32_0 : i32, i32
  }
  func.func @transform_9(%arg0: i32) -> (i32, i32) {
    %c0_i32 = arith.constant 0 : i32
    %c0_i32_0 = arith.constant 0 : i32
    %c0_i32_1 = arith.constant 0 : i32
    return %c0_i32, %c0_i32_0 : i32, i32
  }
  func.func @transform_10(%arg0: i32) -> (i32, i32) {
    %c0_i32 = arith.constant 0 : i32
    %c0_i32_0 = arith.constant 0 : i32
    return %arg0, %c0_i32 : i32, i32
  }
}

</mosaic_0001>

<sc_bundles>
// kernel: kernel.4.cloned.1.call-start
scs
__scs_entry_jumppad:
0x0: {  	(pc) =	sbr.rel $0x88, $3  }
0x1: {  	(tag) =	ssettag $0x0;
	lr =	simm.s32 $0x1  }
0x2: {  	[smem:$0x3F99] =	sst lr;
	_ =	strace $0xD0000000  }
0x3: {  	_ = 	snop  }
0x4: {  	_ = 	snop  }
0x5: {  	_ = 	snop  }
0x6: {  	_ = 	snop  }
0x7: {  	_ = 	snop  }
__scs_overlays_trampoline_lowered:
0x8: {  	[smem:$0x3FA8] =	sst s0  }
0x9: {  	[smem:$0x3FA9] =	sst s1  }
0xa: {  	[smem:$0x3FAA] =	sst s2  }
0xb: {  	[smem:$0x3FAB] =	sst s3  }
0xc: {  	[smem:$0x3FAC] =	sst s4  }
0xd: {  	[smem:$0x3FAD] =	sst s5  }
0xe: {  	[smem:$0x3FAE] =	sst s6  }
0xf: {  	[smem:$0x3FAF] =	sst s7  }
0x10: {  	[smem:$0x3FB0] =	sst s8  }
0x11: {  	[smem:$0x3FB1] =	sst s9;
	s0 =	simm.s32 @!p0 $0x0  }
0x12: {  	s1 =	sld [smem:$0x3F97];
	s0 =	simm.s32 @p0 $0x1  }
0x13: {  	[smem:$0x3FB2] =	sst s0;
	s0 =	simm.s32 @!p1 $0x0  }
0x14: {  	s2 =	sld [smem:$0x3F96];
	s0 =	simm.s32 @p1 $0x1  }
0x15: {  	[smem:$0x3FB3] =	sst s0;
	s0 =	simm.s32 @!p2 $0x0  }
0x16: {  	s3 =	sld [smem:$0x3FDB];
	s0 =	simm.s32 @p2 $0x1  }
0x17: {  	s4 =	simm.s32 $0x1BF5;
	[smem:$0x3FB5] =	sst s0  }
0x18: {  	s0 =	sld [smem:$0x3F98];
	_ =	swait.ge [sflag:s4], $0x0  }
0x19: {  	s7 =	sld [smem:$0x3F99]  }
0x1a: {  	s8 =	sadd.s32 $0xFFFFE003, lr  }
0x1b: {  	s9 =	sadd.s32 $0xFFFFFEF7, lr;
	s5 =	simm.s32 $0xFFFFFFFF;
	p2 =	slt.u32 s8, $0xFFFFF086  }
0x1c: {  	p1 =	slt.u32 s9, $0xF7A;
	s5 =	simm.s32 @!p2 $0x0  }
0x1d: {  	s5 =	simm.s32 @p1 $0x1;
	p0 =	seq.s32 s7, s2  }
0x1e: {  	s7 =	smul.u32 @!p0 $0xF7A, s2;
	p2 =	seq.s32 @!p0 s5, $0x0  }
0x1f: {  	s9 =	smul.u32 $0xF7A, s1;
	s8 =	simm.s32 @!p0 $0x1BF5;
	p2 =	por !p2, p0  }
0x20: {  	[sflag:s8] =	ssyncset.s32 @!p0 $0xFFFFF086;
	s6 =	sadd.s32 @!p0 s3, s7;
	s7 =	simm.s32 @!p0 $0x108  }
0x21: {  	s3 =	sadd.s32 s3, s9;
	s6 =	sadd.s32 @!p0 $0x88, s6;
	s7 =	simm.s32 @p2 $0x1082  }
0x22: {  	[simem:s7], [sflag:s8] =	dma.local @!p0 [hbm:s6], $0xF7A  }
0x23: {  	s9 =	sor.u32 $0xD0000000, s2;
	s6 =	simm.s32 $0x108;
	_ =	swait.ge @!p0 [sflag:s8], $0x0  }
0x24: {  	s3 =	sadd.s32 $0x88, s3;
	s6 =	simm.s32 @!p1 $0x1082;
	[sflag:s4] =	ssyncset.s32 $0xFFFFF086  }
0x25: {  	[simem:s6], [sflag:s4] =	dma.local [hbm:s3], $0xF7A  }
0x26: {  	[smem:$0x3F99] =	sst s1;
	(tag) =	ssettag s2;
	_ =	strace s9  }
0x27: {  	s1 =	sld [smem:$0x3FA9]  }
0x28: {  	s2 =	sld [smem:$0x3FAA]  }
0x29: {  	s4 =	sld [smem:$0x3FAC]  }
0x2a: {  	p0 =	seq.s32 s5, $0x0;
	s5 =	sld [smem:$0x3FAD]  }
0x2b: {  	s6 =	sld [smem:$0x3FAE]  }
0x2c: {  	s7 =	sld [smem:$0x3FAF]  }
0x2d: {  	s3 =	simm.s32 $0x108;
	s8 =	sld [smem:$0x3FB0]  }
0x2e: {  	s3 =	simm.s32 @!p0 $0x1082;
	s9 =	sld [smem:$0x3FB1]  }
0x2f: {  	lr =	sadd.s32 s0, s3;
	s0 =	sld [smem:$0x3FA8]  }
0x30: {  	s3 =	sld [smem:$0x3FAB]  }
0x31: {  	[smem:$0x3FB4] =	sst s10  }
0x32: {  	s10 =	sld [smem:$0x3FB2];
	_ =	sdelay $0x3  }
0x33: {  	p0 =	seq.s32 s10, $0x1;
	s10 =	sld [smem:$0x3FB4];
	_ =	sdelay $0x3  }
0x34: {  	[smem:$0x3FB4] =	sst s10  }
0x35: {  	s10 =	sld [smem:$0x3FB3];
	_ =	sdelay $0x3  }
0x36: {  	p1 =	seq.s32 s10, $0x1;
	s10 =	sld [smem:$0x3FB4];
	_ =	sdelay $0x3  }
0x37: {  	[smem:$0x3FB4] =	sst s10  }
0x38: {  	s10 =	sld [smem:$0x3FB5]  }
0x39: {  	_ = 	snop;
	(pc) =	sbr.ind lr, $3  }
0x3a: {  	_ = 	snop  }
0x3b: {  	_ = 	snop  }
0x3c: {  	p2 =	seq.s32 s10, $0x1;
	s10 =	sld [smem:$0x3FB4]  }
0x3d: {  	_ =	shalt  }
0x3e: {  	_ =	shalt  }
0x3f: {  	_ =	shalt  }
0x40: {  	_ =	shalt  }
0x41: {  	_ =	shalt  }
0x42: {  	_ =	shalt  }
0x43: {  	_ =	shalt  }
0x44: {  	_ =	shalt  }
0x45: {  	_ =	shalt  }
0x46: {  	_ =	shalt  }
0x47: {  	_ =	shalt  }
0x48: {  	_ =	shalt  }
0x49: {  	_ =	shalt  }
0x4a: {  	_ =	shalt  }
0x4b: {  	_ =	shalt  }
0x4c: {  	_ =	shalt  }
0x4d: {  	_ =	shalt  }
0x4e: {  	_ =	shalt  }
0x4f: {  	_ =	shalt  }
0x50: {  	_ =	shalt  }
0x51: {  	_ =	shalt  }
0x52: {  	_ =	shalt  }
0x53: {  	_ =	shalt  }
0x54: {  	_ =	shalt  }
0x55: {  	_ =	shalt  }
0x56: {  	_ =	shalt  }
0x57: {  	_ =	shalt  }
0x58: {  	_ =	shalt  }
0x59: {  	_ =	shalt  }
0x5a: {  	_ =	shalt  }
0x5b: {  	_ =	shalt  }
0x5c: {  	_ =	shalt  }
0x5d: {  	_ =	shalt  }
0x5e: {  	_ =	shalt  }
0x5f: {  	_ =	shalt  }
0x60: {  	_ =	shalt  }
0x61: {  	_ =	shalt  }
0x62: {  	_ =	shalt  }
0x63: {  	_ =	shalt  }
0x64: {  	_ =	shalt  }
0x65: {  	_ =	shalt  }
0x66: {  	_ =	shalt  }
0x67: {  	_ =	shalt  }
0x68: {  	_ =	shalt  }
0x69: {  	_ =	shalt  }
0x6a: {  	_ =	shalt  }
0x6b: {  	_ =	shalt  }
0x6c: {  	_ =	shalt  }
0x6d: {  	_ =	shalt  }
0x6e: {  	_ =	shalt  }
0x6f: {  	_ =	shalt  }
0x70: {  	_ =	shalt  }
0x71: {  	_ =	shalt  }
0x72: {  	_ =	shalt  }
0x73: {  	_ =	shalt  }
0x74: {  	_ =	shalt  }
0x75: {  	_ =	shalt  }
0x76: {  	_ =	shalt  }
0x77: {  	_ =	shalt  }
0x78: {  	_ =	shalt  }
0x79: {  	_ =	shalt  }
0x7a: {  	_ =	shalt  }
0x7b: {  	_ =	shalt  }
0x7c: {  	_ =	shalt  }
0x7d: {  	_ =	shalt  }
0x7e: {  	_ =	shalt  }
0x7f: {  	_ =	shalt  }
0x80: {  	_ =	shalt  }
0x81: {  	_ =	shalt  }
0x82: {  	_ =	shalt  }
0x83: {  	_ =	shalt  }
0x84: {  	_ =	shalt  }
0x85: {  	_ =	shalt  }
0x86: {  	_ =	shalt  }
0x87: {  	_ =	shalt  }
.Lfunc_end0:
.L_simem_size_0:
called_computation_lowered:
.L_overlay_start_0:
0x88: {  	s2 =	sld [smem:$0x3FD9]  }
0x89: {  	s3 =	sld [smem:$0x3FFE];
	_ =	sdelay $0x1  }
0x8a: {  	s1 =	srdreg.scid  }
0x8b: {  	s0 =	sand.u32 $0x1, s1  }
0x8c: {  	s17 =	sshll.u32 s0, $0xA;
	s2 =	sadd.s32 s3, s2  }
0x8d: {  	s2 =	sadd.s32 s2, s17  }
0x8e: {  	[smem:$0x3FC0] =	sst s2  }
0x8f: {  	_ = 	snop  }
0x90: {  	s2 =	sld [smem:$0x3FD0];
	(tm) =	ssettm $0x1  }
0x91: {  	s18 =	sld [smem:$0x3FFB];
	_ =	sdelay $0x3  }
0x92: {  	_ =	strace s18  }
0x93: {  	s3 =	sld [smem:$0x3FFC];
	_ =	sdelay $0x3  }
0x94: {  	_ =	strace s3  }
0x95: {  	s3 =	sld [smem:$0x3FFD];
	_ =	sdelay $0x3  }
0x96: {  	_ =	strace s3  }
0x97: {  	_ =	strace $0x8FFFFFFF  }
0x98: {  	s19 =	sld [smem:$0x3FDB];
	_ =	sdelay $0x1  }
0x99: {  	s4 =	simm.s32 $_scs_section_size  }
0x9a: {  	s5 =	simm.s32 $_size__tile_overlayer_lowered;
	s6 =	simm.s32 $_tile_overlayer_lowered  }
0x9b: {  	s22 =	simm.s32 $0x1BFF;
	s21 =	sshll.u32 s6, $0x1;
	s3 =	sadd.s32 s4, s19  }
0x9c: {  	s7 =	simm.s32 $0x0;
	s20 =	sshll.u32 s5, $0x1;
	s5 =	sadd.s32 s21, s3  }
0x9d: {  	[timem:s7], [sflag:s22] =	dma.local [hbm:s5], s20  }
0x9e: {  	_ =	swait.ge [sflag:s22], s20  }
0x9f: {  	s4 =	ssub.s32 $0x0, s20;
	[sflag:s22] =	ssyncset.done $0x0  }
0xa0: {  	[sflag:s22] =	ssyncadd.s32 s4;
	_ =	sdelay $0x1  }
0xa1: {  	s23 =	simm.s32 $0x1B8B  }
0xa2: {  	_ =	swait.ge [sflag:s23], $0x1  }
0xa3: {  	[sflag:s23] =	ssyncset.done $0x0  }
0xa4: {  	s25 =	simm.s32 $0x1B8E;
	s24 =	sld [smem:$0x3FFE];
	[sflag:s23] =	ssyncadd.s32 $0xFFFFFFFF  }
0xa5: {  	s26 =	simm.s32 $execute0_lowered;
	[smem:$0x3FD2] =	sst s25  }
0xa6: {  	s5 =	sshll.u32 s26, $0x1;
	_ =	strace $0x80000046;
	[dreg:$0x1] =	wrdreg $0xFFFFFFFF  }
0xa7: {  	s28 =	simm.s32 $_size_execute0_lowered;
	s3 =	sadd.s32 s3, s5;
	[dreg:$0x0] =	wrdreg $0x0  }
0xa8: {  	s5 =	sshll.u32 s28, $0x1;
	[dreg:$0x2] =	wrdreg s3  }
0xa9: {  	[dreg:$0x3] =	wrdreg s5  }
0xaa: {  	[dreg:$0x4] =	wrdreg $0xC0  }
0xab: {  	_ =	task [dreg:s7], $0x5FFFF  }
0xac: {  	[dreg:$0x1] =	wrdreg $0xFFFFFFFF  }
0xad: {  	[dreg:$0x0] =	wrdreg $0x60  }
0xae: {  	[dreg:$0x2] =	wrdreg s2  }
0xaf: {  	[dreg:$0x3] =	wrdreg s24  }
0xb0: {  	[dreg:$0x4] =	wrdreg $0x90800  }
0xb1: {  	[dreg:$0x5] =	wrdreg $0x9  }
0xb2: {  	_ =	task.clear_ibuf [dreg:s7], $0x6FFFF;
	_ =	strace $0x90000046  }
0xb3: {  	s29 =	simm.s32 $0x9;
	_ =	strace $0x80000048  }
0xb4: {  	_ =	swait.ge [sflag:s29], $0x1  }
0xb5: {  	[sflag:s29] =	ssyncadd.s32 $0xFFFFFFFF  }
0xb6: {  	_ =	strace $0x90000048  }
0xb7: {  	_ =	sfence  }
0xb8: {  	s30 =	sld [smem:$0x0];
	_ =	sdelay $0x2  }
0xb9: {  	s31 =	sshll.u32 s1, $0xD;
	s1 =	sshrl.u32 s1, $0x2  }
0xba: {  	s3 =	sand.u32 $0x4000, s31;
	s1 =	sadd.s32 s1, s30  }
0xbb: {  	s0 =	sor.u32 s3, s0;
	s1 =	sshll.u32 s1, $0x11  }
0xbc: {  	s0 =	sor.u32 s1, s0  }
0xbd: {  	s0 =	sadd.s32 $0x8F2B, s0  }
0xbe: {  	[sflag:s0] =	ssyncadd.remote.s32 $0x1  }
0xbf: {  	_ =	sfence.sel $0xFFFF  }
0xc0: {  	[dreg:$0x0] =	wrdreg $0xFFFFFFFF;
	(pc) =	sbr.abs _section_cstart, $3  }
0xc1: {  	[dreg:$0x1] =	wrdreg $0xFFFFFFFF  }
0xc2: {  	_ =	task.clear_ibuf [dreg:s7], $0x2FFFF;
	_ =	strace $0x9FFFFFFF  }
0xc3: {  	(tm) =	ssettm $0x7FFFFFFF  }
tec
execute0_lowered:
.L_overlay_start_1:
0x0: {  	(tag) =	ssettag $0x1  }
0x1: {  	s0 =	srdreg.scid;
	s11 =	stileid.u32  }
0x2: {  	s1 =	rddreg [dreg:$0x0];
	s6 =	smul.u32 $0x13C0, s11  }
0x3: {  	s5 =	rddreg [dreg:$0x1];
	s8 =	smul.u32 $0x28000, s11  }
0x4: {  	s3 =	rddreg [dreg:$0x2];
	s9 =	smul.u32 $0x2800, s11  }
0x5: {  	s4 =	simm.s32 $0x0;
	s0 =	sand.u32 $0x1, s0;
	s21 =	smul.u32 $0x50000, s11  }
0x6: {  	s28 =	simm.s32 $0x27C0;
	s29 =	simm.s32 $0x4880;
	s2 =	smul.u32 $0x13C00, s0  }
0x7: {  	s30 =	simm.s32 $0x1;
	s31 =	simm.s32 $0x2800;
	s7 =	smul.u32 $0x280000, s0  }
0x8: {  	[smem:$0x7FF] =	sst s4;
	s19 =	smul.u32 $0x28000, s0;
	s0 =	ssub.s32 $0x2, s0  }
0x9: {  	_ =	strace $0x80000047;
	s20 =	sshrl.u32 s0, $0x1;
	s23 =	sshrl.u32 s21, $0x2  }
0xa: {  	s24 =	sshrl.u32 s8, $0x1;
	s21 =	simm.s32 $0x3;
	s2 =	sadd.s32 s6, s2  }
0xb: {  	s7 =	sadd.s32 s8, s7;
	s6 =	sadd.s32 s9, s19;
	s0 =	ssub.s32 s0, s20  }
0xc: {  	s26 =	sadd.s32 s24, s3;
	s20 =	simm.s32 $0x5;
	s24 =	simm.s32 $0x40  }
0xd: {  	s2 =	sshrl.u32 s2, $0x3;
	s7 =	sshrl.u32 s7, $0x4;
	s6 =	sshrl.u32 s6, $0x3  }
0xe: {  	s2 =	sadd.s32 s2, s5;
	s10 =	sadd.s32 s7, s5;
	s5 =	sadd.s32 s6, s5  }
0xf: {  	s7 =	sadd.s32 s23, s3;
	s23 =	simm.s32 $0x6880;
	s6 =	simm.s32 $0x0  }
0x10: {  	s22 =	sadd.s32 $0x6400, s2;
	s2 =	sadd.s32 $0x1400, s2;
	s25 =	sadd.s32 $0xB400, s10  }
0x11: {  	s5 =	sadd.s32 $0x5B400, s5;
	s10 =	smax.u32 s0, $0x1;
	s11 =	sadd.s32 $0x2000, s7  }
0x12: {  	s12 =	sadd.s32 $0x4000, s7;
	s13 =	sadd.s32 $0x6000, s7;
	s14 =	sadd.s32 $0x8000, s7  }
0x13: {  	s15 =	sadd.s32 $0xA000, s7;
	s16 =	sadd.s32 $0xC000, s7;
	[dreg:$0x4] =	wrdreg s22  }
0x14: {  	s17 =	sadd.s32 $0xE000, s7;
	s18 =	sadd.s32 $0x10000, s7;
	[dreg:$0x5] =	wrdreg s2  }
0x15: {  	s19 =	sadd.s32 $0x12000, s7;
	s0 =	simm.s32 $0x2840;
	[dreg:$0x6] =	wrdreg s25  }
0x16: {  	[dreg:$0x7] =	wrdreg s5;
	s22 =	simm.s32 $0x2880;
	s25 =	sshrl.u32 s26, $0x3  }
0x17: {  	v0 =	vimm.bf16 $0.0e+00;
	v1 =	vimm.f32 $0.0e+00;
	v2 =	vimm.f32 $1.000000000e+00;
	s26 =	simm.s32 $0x2780;
	s2 =	simm.s32 $0x2;
	s5 =	simm.s32 $0x4  }
.LBB2_1:
0x18: {  	s8 =	rddreg [dreg:$0x4]  }
0x19: {  	[tilespmem:s4], [sflag:$0x5] =	stream.linear.gather [hbm4b:s8+s4], $0x13C0, $0x38;
	[tilespmem:$0x1D080] =	vst v63  }
0x1a: {  	_ =	swait.ge [sflag:s20], $0x13C0  }
0x1b: {  	[sflag:s20] =	ssyncset.done $0x0  }
0x1c: {  	s9 =	simm.s32 $0x13C0;
	s8 =	rddreg [dreg:$0x5];
	[sflag:s20] =	ssyncadd.s32 $0xFFFFEC40  }
0x1d: {  	[tilespmem:s9], [sflag:$0x5] =	stream.linear.gather [hbm4b:s8+s4], $0x13C0, $0x38;
	[tilespmem:$0x1D080] =	vst v63  }
0x1e: {  	_ =	swait.ge [sflag:s20], $0x13C0  }
0x1f: {  	[sflag:s20] =	ssyncset.done $0x0  }
0x20: {  	s8 =	simm.s32 $0x0;
	s9 =	simm.s32 $0x200;
	[sflag:s20] =	ssyncadd.s32 $0xFFFFEC40  }
.LBB2_2:
0x21: {  	p0 =	sne.s32 s9, $0x7E00;
	[tilespmem:s8+$0x28F0] =	vst v0  }
0x22: {  	[tilespmem:s8+$0x2880] =	vst v0  }
0x23: {  	[tilespmem:s8+$0x2890] =	vst v0  }
.Ltmp0:
0x24: {  	[tilespmem:s8+$0x28A0] =	vst v0;
	(pc) =	sbr.rel @p0 .LBB2_2-.Ltmp0, $4  }
0x25: {  	[tilespmem:s8+$0x28B0] =	vst v0  }
0x26: {  	[tilespmem:s8+$0x28C0] =	vst v0  }
0x27: {  	[tilespmem:s8+$0x28D0] =	vst v0  }
0x28: {  	[tilespmem:s8+$0x28E0] =	vst v0;
	s8 =	sshra.s32 s9, $0x2;
	s9 =	sadd.s32 $0x200, s9  }
0x29: {  	[tilespmem:s8+$0x28F0] =	vst v0  }
0x2a: {  	[tilespmem:s8+$0x2880] =	vst v0  }
0x2b: {  	[tilespmem:s8+$0x2890] =	vst v0  }
0x2c: {  	[tilespmem:s8+$0x28A0] =	vst v0  }
0x2d: {  	[tilespmem:s8+$0x28B0] =	vst v0  }
0x2e: {  	[tilespmem:s8+$0x28C0] =	vst v0  }
0x2f: {  	[tilespmem:s8+$0x28D0] =	vst v0  }
0x30: {  	[tilespmem:s8+$0x28E0] =	vst v0;
	s8 =	simm.s32 $0x40;
	s9 =	simm.s32 $0x0  }
.LBB2_4:
0x31: {  	p0 =	sne.s32 s8, $0x9FC0;
	[tilespmem:s9+$0x6880] =	vst v1;
	s9 =	smov.u32 s8;
	s8 =	sadd.s32 $0x40, s8  }
.Ltmp1:
0x32: {  	(pc) =	sbr.rel @p0 .LBB2_4-.Ltmp1, $2  }
0x33: {  	_ =	sdelay $0x2  }
0x34: {  	s9 =	sshra.s32 s9, $0x2  }
0x35: {  	[tilespmem:s9+$0x6880] =	vst v1  }
0x36: {  	[spmem:s7] =	stream.linear.scatter [tilespmem:s22], [sflag:$0x5], $0x2000, $0x38;
	[tilespmem:$0x1D080] =	vst v63  }
0x37: {  	_ =	swait.ge [sflag:s20], $0x2000  }
0x38: {  	[sflag:s20] =	ssyncset.done $0x0  }
0x39: {  	[sflag:s20] =	ssyncadd.s32 $0xFFFFE000  }
0x3a: {  	[spmem:s11] =	stream.linear.scatter [tilespmem:s22], [sflag:$0x5], $0x2000, $0x38;
	[tilespmem:$0x1D080] =	vst v63  }
0x3b: {  	_ =	swait.ge [sflag:s20], $0x2000  }
0x3c: {  	[sflag:s20] =	ssyncset.done $0x0  }
0x3d: {  	[sflag:s20] =	ssyncadd.s32 $0xFFFFE000  }
0x3e: {  	[spmem:s12] =	stream.linear.scatter [tilespmem:s22], [sflag:$0x5], $0x2000, $0x38;
	[tilespmem:$0x1D080] =	vst v63  }
0x3f: {  	_ =	swait.ge [sflag:s20], $0x2000  }
0x40: {  	[sflag:s20] =	ssyncset.done $0x0  }
0x41: {  	[sflag:s20] =	ssyncadd.s32 $0xFFFFE000  }
0x42: {  	[spmem:s13] =	stream.linear.scatter [tilespmem:s22], [sflag:$0x5], $0x2000, $0x38;
	[tilespmem:$0x1D080] =	vst v63  }
0x43: {  	_ =	swait.ge [sflag:s20], $0x2000  }
0x44: {  	[sflag:s20] =	ssyncset.done $0x0  }
0x45: {  	[sflag:s20] =	ssyncadd.s32 $0xFFFFE000  }
0x46: {  	[spmem:s14] =	stream.linear.scatter [tilespmem:s22], [sflag:$0x5], $0x2000, $0x38;
	[tilespmem:$0x1D080] =	vst v63  }
0x47: {  	_ =	swait.ge [sflag:s20], $0x2000  }
0x48: {  	[sflag:s20] =	ssyncset.done $0x0  }
0x49: {  	[sflag:s20] =	ssyncadd.s32 $0xFFFFE000  }
0x4a: {  	[spmem:s15] =	stream.linear.scatter [tilespmem:s22], [sflag:$0x5], $0x2000, $0x38;
	[tilespmem:$0x1D080] =	vst v63  }
0x4b: {  	_ =	swait.ge [sflag:s20], $0x2000  }
0x4c: {  	[sflag:s20] =	ssyncset.done $0x0  }
0x4d: {  	[sflag:s20] =	ssyncadd.s32 $0xFFFFE000  }
0x4e: {  	[spmem:s16] =	stream.linear.scatter [tilespmem:s22], [sflag:$0x5], $0x2000, $0x38;
	[tilespmem:$0x1D080] =	vst v63  }
0x4f: {  	_ =	swait.ge [sflag:s20], $0x2000  }
0x50: {  	[sflag:s20] =	ssyncset.done $0x0  }
0x51: {  	[sflag:s20] =	ssyncadd.s32 $0xFFFFE000  }
0x52: {  	[spmem:s17] =	stream.linear.scatter [tilespmem:s22], [sflag:$0x5], $0x2000, $0x38;
	[tilespmem:$0x1D080] =	vst v63  }
0x53: {  	_ =	swait.ge [sflag:s20], $0x2000  }
0x54: {  	[sflag:s20] =	ssyncset.done $0x0  }
0x55: {  	[sflag:s20] =	ssyncadd.s32 $0xFFFFE000  }
0x56: {  	[spmem:s18] =	stream.linear.scatter [tilespmem:s22], [sflag:$0x5], $0x2000, $0x38;
	[tilespmem:$0x1D080] =	vst v63  }
0x57: {  	_ =	swait.ge [sflag:s20], $0x2000  }
0x58: {  	[sflag:s20] =	ssyncset.done $0x0  }
0x59: {  	[sflag:s20] =	ssyncadd.s32 $0xFFFFE000  }
0x5a: {  	[spmem:s19] =	stream.linear.scatter [tilespmem:s22], [sflag:$0x5], $0x2000, $0x38;
	[tilespmem:$0x1D080] =	vst v63  }
0x5b: {  	_ =	swait.ge [sflag:s20], $0x2000  }
0x5c: {  	[sflag:s20] =	ssyncset.done $0x0  }
0x5d: {  	[sflag:s20] =	ssyncadd.s32 $0xFFFFE000  }
0x5e: {  	s8 =	simm.s32 $0x1C0;
	[bflag:$0x0] =	sbarrier.arrive $0xFFFF  }
.LBB2_6:
0x5f: {  	s9 =	sshra.s32 s8, $0x2  }
0x60: {  	v3 =	vld [tilespmem:s9+$0xFFFFFF90];
	_ =	sdelay $0x4  }
0x61: {  	[tilespmem:$0x2780] =	vst v3  }
0x62: {  	v3 =	vld [tilespmem:s9+$0x1350];
	_ =	sdelay $0x6  }
0x63: {  	[tilespmem:$0x2800] =	vst v3  }
0x64: {  	[tilespmem:v3+s23+$0x0] =	vst.idx.add.f32.msk $0xffff, v2  }
0x65: {  	v3 =	vld [tilespmem:s9+$0xFFFFFFA0];
	_ =	sdelay $0x4  }
0x66: {  	[tilespmem:$0x2790] =	vst v3  }
0x67: {  	v3 =	vld [tilespmem:s9+$0x1360];
	_ =	sdelay $0x6  }
0x68: {  	[tilespmem:$0x2810] =	vst v3  }
0x69: {  	[tilespmem:v3+s23+$0x0] =	vst.idx.add.f32.msk $0xffff, v2  }
0x6a: {  	v3 =	vld [tilespmem:s9+$0xFFFFFFB0];
	_ =	sdelay $0x4  }
0x6b: {  	[tilespmem:$0x27A0] =	vst v3  }
0x6c: {  	v3 =	vld [tilespmem:s9+$0x1370];
	_ =	sdelay $0x6  }
0x6d: {  	[tilespmem:$0x2820] =	vst v3  }
0x6e: {  	[tilespmem:v3+s23+$0x0] =	vst.idx.add.f32.msk $0xffff, v2  }
0x6f: {  	v3 =	vld [tilespmem:s9+$0xFFFFFFC0];
	_ =	sdelay $0x4  }
0x70: {  	[tilespmem:$0x27B0] =	vst v3  }
0x71: {  	v3 =	vld [tilespmem:s9+$0x1380];
	_ =	sdelay $0x6  }
0x72: {  	[tilespmem:$0x2830] =	vst v3  }
0x73: {  	[tilespmem:v3+s23+$0x0] =	vst.idx.add.f32.msk $0xffff, v2  }
0x74: {  	v3 =	vld [tilespmem:s9+$0xFFFFFFD0];
	_ =	sdelay $0x4  }
0x75: {  	[tilespmem:$0x27C0] =	vst v3  }
0x76: {  	v3 =	vld [tilespmem:s9+$0x1390];
	_ =	sdelay $0x6  }
0x77: {  	[tilespmem:$0x2840] =	vst v3  }
0x78: {  	[tilespmem:v3+s23+$0x0] =	vst.idx.add.f32.msk $0xffff, v2  }
0x79: {  	v3 =	vld [tilespmem:s9+$0xFFFFFFE0];
	_ =	sdelay $0x4  }
0x7a: {  	[tilespmem:$0x27D0] =	vst v3  }
0x7b: {  	v3 =	vld [tilespmem:s9+$0x13A0];
	_ =	sdelay $0x6  }
0x7c: {  	[tilespmem:$0x2850] =	vst v3  }
0x7d: {  	[tilespmem:v3+s23+$0x0] =	vst.idx.add.f32.msk $0xffff, v2  }
0x7e: {  	v3 =	vld [tilespmem:s9+$0xFFFFFFF0];
	_ =	sdelay $0x4  }
0x7f: {  	[tilespmem:$0x27E0] =	vst v3  }
0x80: {  	v3 =	vld [tilespmem:s9+$0x13B0];
	_ =	sdelay $0x6  }
0x81: {  	[tilespmem:$0x2860] =	vst v3  }
0x82: {  	[tilespmem:v3+s23+$0x0] =	vst.idx.add.f32.msk $0xffff, v2  }
0x83: {  	v3 =	vld [tilespmem:s9+$0x0];
	_ =	sdelay $0x4  }
0x84: {  	[tilespmem:$0x27F0] =	vst v3  }
0x85: {  	v3 =	vld [tilespmem:s9+$0x13C0];
	_ =	sdelay $0x6  }
0x86: {  	[tilespmem:$0x2870] =	vst v3  }
0x87: {  	[tilespmem:v3+s23+$0x0] =	vst.idx.add.f32.msk $0xffff, v2  }
0x88: {  	[tilespmem:s22], [sflag:$0x1] =	stream.indirect.gather [hbm4b:s1+s24], $0x80, s26, s24, $0xb8;
	[tilespmem:$0x1D080] =	vst v63  }
0x89: {  	_ = 	snop  }
0x8a: {  	[tilespmem:s29], [sflag:$0x2] =	stream.indirect.gather [hbm4b:s1+s24], $0x80, s28, s24, $0xb8;
	[tilespmem:$0x1D080] =	vst v63  }
0x8b: {  	_ =	swait.ge [sflag:s30], $0x2000  }
0x8c: {  	[sflag:s30] =	ssyncset.done $0x0  }
0x8d: {  	[sflag:s30] =	ssyncadd.s32 $0xFFFFE000  }
0x8e: {  	[spmem:s3] =	stream.indirect.scatter.add.bf16 [tilespmem:s22], [sflag:$0x3], $0x80, s31, s24, $0xb8;
	[tilespmem:$0x1D080] =	vst v63  }
0x8f: {  	_ =	swait.ge [sflag:s2], $0x2000  }
0x90: {  	[sflag:s2] =	ssyncset.done $0x0  }
0x91: {  	[sflag:s2] =	ssyncadd.s32 $0xFFFFE000  }
0x92: {  	[spmem:s3] =	stream.indirect.scatter.add.bf16 [tilespmem:s29], [sflag:$0x4], $0x80, s0, s24, $0xb8;
	[tilespmem:$0x1D080] =	vst v63  }
0x93: {  	p0 =	sne.s32 s8, $0x4DC0;
	_ =	swait.ge [sflag:s21], $0x2000  }
.Ltmp2:
0x94: {  	[sflag:s21] =	ssyncset.done $0x0;
	(pc) =	sbr.rel @p0 .LBB2_6-.Ltmp2, $4  }
0x95: {  	[sflag:s21] =	ssyncadd.s32 $0xFFFFE000  }
0x96: {  	_ =	swait.ge [sflag:s5], $0x2000  }
0x97: {  	[sflag:s5] =	ssyncset.done $0x0  }
0x98: {  	s8 =	sadd.s32 $0x200, s8;
	[sflag:s5] =	ssyncadd.s32 $0xFFFFE000  }
0x99: {  	v3 =	vld [tilespmem:$0x2740]  }
0x9a: {  	v4 =	vld [tilespmem:$0x1380];
	_ =	sdelay $0x4  }
0x9b: {  	[tilespmem:$0x2780] =	vst v4  }
0x9c: {  	[tilespmem:$0x2800] =	vst v3  }
0x9d: {  	[tilespmem:v3+s23+$0x0] =	vst.idx.add.f32.msk $0xffff, v2  }
0x9e: {  	v3 =	vld [tilespmem:$0x2750]  }
0x9f: {  	v61 =	vld [tilespmem:$0x1390];
	_ =	sdelay $0x4  }
0xa0: {  	[tilespmem:$0x2790] =	vst v61  }
0xa1: {  	[tilespmem:$0x2810] =	vst v3  }
0xa2: {  	[tilespmem:v3+s23+$0x0] =	vst.idx.add.f32.msk $0xffff, v2  }
0xa3: {  	v3 =	vld [tilespmem:$0x2760]  }
0xa4: {  	v62 =	vld [tilespmem:$0x13A0];
	_ =	sdelay $0x4  }
0xa5: {  	[tilespmem:$0x27A0] =	vst v62  }
0xa6: {  	[tilespmem:$0x2820] =	vst v3  }
0xa7: {  	[tilespmem:v3+s23+$0x0] =	vst.idx.add.f32.msk $0xffff, v2  }
0xa8: {  	v3 =	vld [tilespmem:$0x2770]  }
0xa9: {  	v63 =	vld [tilespmem:$0x13B0];
	_ =	sdelay $0x4  }
0xaa: {  	[tilespmem:$0x27B0] =	vst v63  }
0xab: {  	[tilespmem:$0x2830] =	vst v3  }
0xac: {  	[tilespmem:v3+s23+$0x0] =	vst.idx.add.f32.msk $0xffff, v2  }
0xad: {  	[tilespmem:s22], [sflag:$0x1] =	stream.indirect.gather [hbm4b:s1+s24], $0x80, s26, s24, $0xb8;
	[tilespmem:$0x1D080] =	vst v63  }
0xae: {  	_ =	swait.ge [sflag:s30], $0x2000  }
0xaf: {  	[sflag:s30] =	ssyncset.done $0x0  }
0xb0: {  	[sflag:s30] =	ssyncadd.s32 $0xFFFFE000  }
0xb1: {  	[spmem:s3] =	stream.indirect.scatter.add.bf16 [tilespmem:s22], [sflag:$0x3], $0x80, s31, s24, $0xb8;
	[tilespmem:$0x1D080] =	vst v63  }
0xb2: {  	_ =	swait.ge [sflag:s21], $0x2000  }
0xb3: {  	[sflag:s21] =	ssyncset.done $0x0  }
0xb4: {  	s8 =	stileid.u32;
	[sflag:s21] =	ssyncadd.s32 $0xFFFFE000  }
0xb5: {  	s8 =	sshll.u32 s8, $0x6;
	[bflag:$0x0] =	sbarrier.arrive $0xFFFF  }
0xb6: {  	s8 =	sor.u32 $0x1C05, s8;
	s9 =	rddreg [dreg:$0x6]  }
0xb7: {  	[hbm:s9], [sflag:s8] =	dma.local [spmem:s25], $0x2800  }
0xb8: {  	s6 =	sadd.s32 $0x1, s6;
	_ =	swait.ge [sflag:s20], $0x2800  }
0xb9: {  	p0 =	sne.s32 s6, s10;
	[sflag:s20] =	ssyncset.done $0x0  }
.Ltmp3:
0xba: {  	s9 =	rddreg [dreg:$0x7];
	[sflag:s20] =	ssyncadd.s32 $0xFFFFD800;
	(pc) =	sbr.rel @p0 .LBB2_1-.Ltmp3, $4  }
0xbb: {  	[hbm4b:s9+s4] =	stream.linear.scatter [tilespmem:s23], [sflag:$0x5], $0x2800, $0x38;
	[tilespmem:$0x1D080] =	vst v63  }
0xbc: {  	_ =	swait.ge [sflag:s20], $0x2800  }
0xbd: {  	[sflag:s20] =	ssyncset.done $0x0  }
0xbe: {  	[sflag:s20] =	ssyncadd.s32 $0xFFFFD800  }
0xbf: {  	_ =	sfence.sel $0x180000  }
0xc0: {  	[bflag:$0x0] =	sbarrier.arrive $0xFFFF  }
0xc1: {  	_ =	strace $0x90000047  }
0xc2: {  	s0 =	stileid.u32;
	[bflag:$0x2] =	sbarrier.arrive $0xFFFF  }
0xc3: {  	p0 =	sne.s32 s0, $0x0;
	s0 =	rddreg [dreg:$0x3]  }
0xc4: {  	s0 =	sadd.s32 @!p0 $0x100000, s0  }
0xc5: {  	[sflag:s0] =	ssyncadd.tile.s32 @!p0 $0x1;
	_ =	shalt  }
.Lfunc_end2:
_tile_overlayer_lowered:
.L_overlay_start_2:
0xc6: {  	(tag) =	ssettag $0x2  }
0xc7: {  	s0 =	rddreg [dreg:$0x0];
	s2 =	stileid.u32  }
0xc8: {  	s1 =	rddreg [dreg:$0x1];
	p0 =	sne.s32 s2, $0x0  }
0xc9: {  	s3 =	rddreg [dreg:$0x2];
	[bflag:$0x3] =	sbarrier.arrive $0xFFFF;
	s2 =	simm.s32 @!p0 $0x1C05  }
0xca: {  	[timem:s3], [sflag:s2] =	dma.local @!p0 [hbm:s0], s1  }
0xcb: {  	s0 =	simm.s32 @!p0 $0x5  }
0xcc: {  	_ =	swait.ge @!p0 [sflag:s0], s1  }
0xcd: {  	s1 =	ssub.s32 @!p0 $0x0, s1;
	[sflag:s0] =	ssyncset.done @!p0 $0x0  }
0xce: {  	[sflag:s0] =	ssyncadd.s32 @!p0 s1  }
0xcf: {  	[bflag:$0x3] =	sbarrier.arrive $0xFFFF  }
0xd0: {  	_ =	shalt  }

</sc_bundles>
